<compile_context>
chip_gen: v7x
topology: tpu7x:2x2x1
jax: 0.10.2.dev20260603
libtpu: 0.0.44.dev20260713+nightly
codegen_flags: <defaults>
</compile_context>

<pallas_src>
import functools

import jax
import jax.numpy as jnp
import numpy as np
from jax import lax
from jax.experimental import pallas as pl
from jax.experimental.pallas import tpu as pltpu
from jax.experimental.pallas import tpu_sc as plsc

_STRIDES = (8, 16, 32)
_SIZES = ((64, 64), (32, 32), (16, 16))
_LROWS = (32, 8, 2)
_N = 5376
_ROWS = 42
_NCHUNK = _N // 16
_PRE_NMS_K = 1000
_MAX_DET = 100
_IOU_THR = 0.5
_SCORE_THR = 0.05
_B = 4
_CAP = 1024
_CLEN = _CAP + 80
_UNROLL = 1
_OLEN = _MAX_DET * 6
_OPAD = 640


def _location_consts():
    cxs, cys, svs = [], [], []
    for (h, w), s in zip(_SIZES, _STRIDES):
        ys = (np.arange(h, dtype=np.float32) + 0.5) * s
        xs = (np.arange(w, dtype=np.float32) + 0.5) * s
        cy, cx = np.meshgrid(ys, xs, indexing="ij")
        cxs.append(cx.reshape(-1))
        cys.append(cy.reshape(-1))
        svs.append(np.full(h * w, s, dtype=np.float32))
    cx = np.concatenate(cxs).reshape(_ROWS, 128)
    cy = np.concatenate(cys).reshape(_ROWS, 128)
    sv = np.concatenate(svs).reshape(_ROWS, 128)
    return cx, cy, sv


_CX, _CY, _SV = _location_consts()


def _decode_body(cls0_ref, cls1_ref, cls2_ref, reg0_ref, reg1_ref, reg2_ref,
                 cx_ref, cy_ref, sv_ref, out_ref):
    p = jnp.concatenate(
        [jax.nn.sigmoid(cls0_ref[...]),
         jax.nn.sigmoid(cls1_ref[...]),
         jax.nn.sigmoid(cls2_ref[...])], axis=2)

    score = p[:, 0]
    kind = jnp.zeros((_B, _ROWS, 128), jnp.float32)
    for c in range(1, 80):
        v = p[:, c]
        gt = v > score
        score = jnp.where(gt, v, score)
        kind = jnp.where(gt, jnp.float32(c), kind)

    cx = cx_ref[...][None]
    cy = cy_ref[...][None]
    sv = sv_ref[...][None]
    ltrb = jnp.concatenate(
        [jnp.exp(reg0_ref[...]), jnp.exp(reg1_ref[...]), jnp.exp(reg2_ref[...])],
        axis=2) * sv[:, None]
    x1 = cx - ltrb[:, 0]
    y1 = cy - ltrb[:, 1]
    x2 = cx + ltrb[:, 2]
    y2 = cy + ltrb[:, 3]
    areas = jnp.maximum(x2 - x1, 0.0) * jnp.maximum(y2 - y1, 0.0)

    s_pre = jnp.where(score > _SCORE_THR, score, -2.0)

    def bis(_, lohi):
        lo, hi = lohi
        mid = lo + (hi - lo + 1) // 2
        midf = lax.bitcast_convert_type(
            jnp.broadcast_to(mid, (_B, _ROWS, 128)), jnp.float32)
        c = jnp.sum((s_pre >= midf).astype(jnp.int32), axis=(1, 2), keepdims=True)
        ok = c >= _PRE_NMS_K
        return (jnp.where(ok, mid, lo), jnp.where(ok, hi, mid - 1))

    lo0 = jnp.zeros((_B, 1, 1), jnp.int32)
    hi0 = jnp.full((_B, 1, 1), 0x3F800000, jnp.int32)
    lo, _ = lax.fori_loop(0, 31, bis, (lo0, hi0))
    tf = lax.bitcast_convert_type(jnp.broadcast_to(lo, (_B, _ROWS, 128)), jnp.float32)
    s0 = jnp.where(s_pre >= tf, s_pre, -2.0)

    out_ref[:, 0] = s0
    out_ref[:, 1] = x1
    out_ref[:, 2] = y1
    out_ref[:, 3] = x2
    out_ref[:, 4] = y2
    out_ref[:, 5] = areas
    out_ref[:, 6] = kind
    out_ref[:, 7] = jnp.zeros((_B, _ROWS, 128), jnp.float32)


def _tc_decode(cls_l, reg_l):
    full = lambda shp: pl.BlockSpec(shp, lambda: (0,) * len(shp))
    return pl.pallas_call(
        _decode_body,
        in_specs=[full((_B, 80, r, 128)) for r in _LROWS]
        + [full((_B, 4, r, 128)) for r in _LROWS]
        + [full((_ROWS, 128))] * 3,
        out_specs=full((_B, 8, _ROWS, 128)),
        out_shape=jax.ShapeDtypeStruct((_B, 8, _ROWS, 128), jnp.float32),
    )(*cls_l, *reg_l, jnp.asarray(_CX), jnp.asarray(_CY), jnp.asarray(_SV))


def _sc_nms(data):
    mesh = plsc.VectorSubcoreMesh(core_axis_name="c", subcore_axis_name="s")

    @functools.partial(
        pl.kernel,
        mesh=mesh,
        compiler_params=pltpu.CompilerParams(needs_layout_passes=False),
        out_type=jax.ShapeDtypeStruct((_B, _OPAD), jnp.float32),
        scratch_types=[
            pltpu.VMEM((8, _N), jnp.float32),
            pltpu.VMEM((7, _CLEN), jnp.float32),
            pltpu.VMEM((_OPAD,), jnp.float32),
        ],
    )
    def nms_kernel(data_hbm, out_hbm, data_v, comp_v, outf_v):
        w = lax.axis_index("s") * 2 + lax.axis_index("c")

        @pl.when(w < _B)
        def _():
            pltpu.sync_copy(data_hbm.at[w], data_v)
            lane = lax.iota(jnp.int32, 16)
            zero16 = jnp.zeros((16,), jnp.float32)

            def zi(i, c):
                outf_v[pl.ds(i * 16, 16)] = zero16
                return c

            lax.fori_loop(0, _OPAD // 16, zi, 0)

            NEG = jnp.float32(-3.4e38)
            BIGI = jnp.int32(2 ** 30)

            def cmp_chunk(i, st):
                off_v, bv, bl = st
                base = i * 16
                s = data_v[0, pl.ds(base, 16)]
                msk = s > -1.0
                cum = plsc.cumsum(msk.astype(jnp.int32))
                pos = jnp.minimum(off_v + cum - 1, jnp.int32(_CAP + 15))
                plsc.store_scatter(comp_v, [jnp.zeros((16,), jnp.int32), pos],
                                   s, mask=msk)
                for r in range(1, 7):
                    v = data_v[r, pl.ds(base, 16)]
                    plsc.store_scatter(comp_v, [jnp.full((16,), r, jnp.int32), pos],
                                       v, mask=msk)
                gt = jnp.logical_and(msk, s > bv)
                bl = jnp.where(gt, pos, bl)
                bv = jnp.where(gt, s, bv)
                off_v = jnp.minimum(off_v + plsc.all_reduce_population_count(msk),
                                    jnp.int32(_CAP))
                return off_v, bv, bl

            off_v, bv, bl = lax.fori_loop(
                0, _NCHUNK, cmp_chunk,
                (jnp.zeros((16,), jnp.int32), jnp.full((16,), NEG),
                 jnp.zeros((16,), jnp.int32)))
            k = off_v[0]
            for u in range(_UNROLL):
                plsc.store_scatter(
                    comp_v, [jnp.zeros((16,), jnp.int32), k + u * 16 + lane],
                    jnp.full((16,), -2.0, jnp.float32))
            ng = (k + (_UNROLL * 16 - 1)) // (_UNROLL * 16)
            m0 = jnp.max(bv)
            idx0 = jnp.min(jnp.where(bv == m0, bl, BIGI))

            def step_body(st):
                cnt, m, idx = st
                rowv = jnp.minimum(lane, 6)
                idxv = jnp.full((16,), idx, jnp.int32)
                g = plsc.load_gather(comp_v, [rowv, idxv])
                bx1 = g[1]
                by1 = g[2]
                bx2 = g[3]
                by2 = g[4]
                ba = g[5]
                bk = g[6]
                row = jnp.where(lane == 0, bx1,
                      jnp.where(lane == 1, by1,
                      jnp.where(lane == 2, bx2,
                      jnp.where(lane == 3, by2,
                      jnp.where(lane == 4, bk,
                      jnp.where(lane == 5, m, 0.0))))))
                plsc.store_scatter(outf_v,
                                   [cnt * 6 + jnp.minimum(lane, jnp.int32(5))],
                                   row, mask=lane < 6)

                def sup_group(i, st2):
                    bv2, bl2 = st2
                    for u in range(_UNROLL):
                        base = (i * _UNROLL + u) * 16
                        s = comp_v[0, pl.ds(base, 16)]
                        x1 = comp_v[1, pl.ds(base, 16)]
                        y1 = comp_v[2, pl.ds(base, 16)]
                        x2 = comp_v[3, pl.ds(base, 16)]
                        y2 = comp_v[4, pl.ds(base, 16)]
                        ar = comp_v[5, pl.ds(base, 16)]
                        xx1 = jnp.maximum(bx1, x1)
                        yy1 = jnp.maximum(by1, y1)
                        xx2 = jnp.minimum(bx2, x2)
                        yy2 = jnp.minimum(by2, y2)
                        inter = (jnp.maximum(xx2 - xx1, 0.0)
                                 * jnp.maximum(yy2 - yy1, 0.0))
                        iou = inter / (ba + ar - inter + 1e-9)
                        s = jnp.where(iou > _IOU_THR, -2.0, s)
                        comp_v[0, pl.ds(base, 16)] = s
                        liv = base + lane
                        gt = s > bv2
                        bl2 = jnp.where(gt, liv, bl2)
                        bv2 = jnp.where(gt, s, bv2)
                    return bv2, bl2

                bv2, bl2 = lax.fori_loop(
                    0, ng, sup_group,
                    (jnp.full((16,), NEG), jnp.zeros((16,), jnp.int32)))
                m2 = jnp.max(bv2)
                idx2 = jnp.min(jnp.where(bv2 == m2, bl2, BIGI))
                return cnt + 1, m2, idx2

            def step(i, st):
                return lax.cond(st[1] > _SCORE_THR, step_body, lambda s: s, st)

            lax.fori_loop(0, _MAX_DET, step, (jnp.int32(0), m0, idx0))
            pltpu.sync_copy(outf_v, out_hbm.at[w])

    return nms_kernel(data)


def kernel(cls0, cls1, cls2, cnt0, cnt1, cnt2, reg0, reg1, reg2):
    del cnt0, cnt1, cnt2
    B = cls0.shape[0]
    cls_l = [c.reshape(B, 80, r, 128) for c, r in zip((cls0, cls1, cls2), _LROWS)]
    reg_l = [r_.reshape(B, 4, r, 128) for r_, r in zip((reg0, reg1, reg2), _LROWS)]

    data = _tc_decode(cls_l, reg_l).reshape(B, 8, _N)
    out = _sc_nms(data)
    return out[:, :_OLEN].reshape(B, _MAX_DET, 6)

# --- scband reference (transcript-rebuilt; emitter-appended) ---
"""Pipeline reference for scband-post-processing-46127948759498 (READ-ONLY COPY).

The authoritative reference and input builder live on the scoring server;
editing this copy changes nothing except your own understanding.
"""

import jax, jax.numpy as jnp
import numpy as np

STRIDES = [8, 16, 32]
PRE_NMS_K = 1000
MAX_DET = 100
IOU_THR = 0.5
SCORE_THR = 0.05


def setup_inputs(seed: int = 0):
    key = jax.random.key(seed)
    shapes = [
        ("cls0", (4, 80, 64, 64)), ("cls1", (4, 80, 32, 32)), ("cls2", (4, 80, 16, 16)),
        ("cnt0", (4, 1, 64, 64)), ("cnt1", (4, 1, 32, 32)), ("cnt2", (4, 1, 16, 16)),
        ("reg0", (4, 4, 64, 64)), ("reg1", (4, 4, 32, 32)), ("reg2", (4, 4, 16, 16)),
    ]
    ks = jax.random.split(key, len(shapes))
    return {name: jax.random.normal(k, shp, dtype=jnp.float32) for (name, shp), k in zip(shapes, ks)}


def _decode_level(cls, cnt, reg, stride):
    # layer_post_processing: sigmoid activations, flatten spatial dims, decode ltrb regression to boxes
    B, C, H, W = cls.shape
    cls_p = jax.nn.sigmoid(cls).transpose(0, 2, 3, 1).reshape(B, H * W, C)
    cnt_p = jax.nn.sigmoid(cnt).transpose(0, 2, 3, 1).reshape(B, H * W, 1)
    ys = (jnp.arange(H, dtype=jnp.float32) + 0.5) * stride
    xs = (jnp.arange(W, dtype=jnp.float32) + 0.5) * stride
    cy, cx = jnp.meshgrid(ys, xs, indexing="ij")
    cx = cx.reshape(-1)[None, :]
    cy = cy.reshape(-1)[None, :]
    ltrb = jnp.exp(reg).transpose(0, 2, 3, 1).reshape(B, H * W, 4) * stride
    boxes = jnp.stack([cx - ltrb[..., 0], cy - ltrb[..., 1], cx + ltrb[..., 2], cy + ltrb[..., 3]], axis=-1)
    return cls_p, cnt_p, boxes


def _candidates(cls_l, cnt_l, reg_l):
    cls_parts, cnt_parts, box_parts = [], [], []
    for c, n, r, s in zip(cls_l, cnt_l, reg_l, STRIDES):
        cp, ctp, bp = _decode_level(c, n, r, s)
        cls_parts.append(cp)
        cnt_parts.append(ctp)
        box_parts.append(bp)
    cls = jnp.concatenate(cls_parts, axis=1)
    cnt = jnp.concatenate(cnt_parts, axis=1)
    boxes = jnp.concatenate(box_parts, axis=1)
    B = cls.shape[0]
    outs = []
    for i in range(B):
        cls_out = cls[i]
        cnt_out = cnt[i]
        reg_out = boxes[i]
        sscls_out = jnp.sqrt(cls_out * cnt_out)  # computed in original forward (unused downstream)
        score = jnp.max(cls_out, axis=-1)
        kind = jnp.argmax(cls_out, axis=-1).astype(jnp.float32)
        score_m = jnp.where(score > SCORE_THR, score, -1.0)  # score > 0.05 mask, fixed-shape form
        top_s, top_i = jax.lax.top_k(score_m, PRE_NMS_K)
        res = jnp.concatenate([reg_out[top_i], kind[top_i][:, None], top_s[:, None]], axis=-1)
        outs.append(res)
    return jnp.stack(outs)


def _nms_np(cand_i):
    # greedy class-agnostic NMS on [K, 6] = (x1,y1,x2,y2,kind,score); candidates are score-descending
    boxes = np.asarray(cand_i[:, :4], dtype=np.float64)
    scores = np.asarray(cand_i[:, 5], dtype=np.float64)
    x1, y1, x2, y2 = boxes[:, 0], boxes[:, 1], boxes[:, 2], boxes[:, 3]
    areas = np.maximum(x2 - x1, 0.0) * np.maximum(y2 - y1, 0.0)
    n = len(scores)
    suppressed = np.zeros(n, dtype=bool)
    keep = []
    for i in range(n):
        if suppressed[i] or scores[i] <= SCORE_THR:
            continue
        keep.append(i)
        if len(keep) >= MAX_DET:
            break
        xx1 = np.maximum(x1[i], x1)
        yy1 = np.maximum(y1[i], y1)
        xx2 = np.minimum(x2[i], x2)
        yy2 = np.minimum(y2[i], y2)
        inter = np.maximum(xx2 - xx1, 0.0) * np.maximum(yy2 - yy1, 0.0)
        iou = inter / (areas[i] + areas - inter + 1e-9)
        suppressed |= iou > IOU_THR
    return keep


def _nms_jax(cand_i):
    # greedy class-agnostic NMS on [K, 6] = (x1,y1,x2,y2,kind,score); candidates are score-descending
    n = cand_i.shape[0]
    boxes = cand_i[:, :4]
    scores = cand_i[:, 5]
    x1, y1, x2, y2 = boxes[:, 0], boxes[:, 1], boxes[:, 2], boxes[:, 3]
    areas = jnp.maximum(x2 - x1, 0.0) * jnp.maximum(y2 - y1, 0.0)

    def body(i, state):
        suppressed, keep_idx, count, done = state
        take = jnp.logical_and(
            jnp.logical_not(done),
            jnp.logical_and(jnp.logical_not(suppressed[i]), scores[i] > SCORE_THR),
        )
        keep_idx = jnp.where(take, keep_idx.at[jnp.minimum(count, MAX_DET - 1)].set(i), keep_idx)
        count = count + take.astype(jnp.int32)
        done = jnp.logical_or(done, count >= MAX_DET)
        xx1 = jnp.maximum(x1[i], x1)
        yy1 = jnp.maximum(y1[i], y1)
        xx2 = jnp.minimum(x2[i], x2)
        yy2 = jnp.minimum(y2[i], y2)
        inter = jnp.maximum(xx2 - xx1, 0.0) * jnp.maximum(yy2 - yy1, 0.0)
        iou = inter / (areas[i] + areas - inter + 1e-9)
        suppressed = jnp.logical_or(suppressed, jnp.logical_and(take, iou > IOU_THR))
        return suppressed, keep_idx, count, done

    init = (
        jnp.zeros((n,), dtype=jnp.bool_),
        jnp.zeros((MAX_DET,), dtype=jnp.int32),
        jnp.int32(0),
        jnp.bool_(False),
    )
    _, keep_idx, count, _ = jax.lax.fori_loop(0, n, body, init)
    rows = cand_i[keep_idx]
    valid = (jnp.arange(MAX_DET) < count)[:, None]
    return jnp.where(valid, rows, jnp.zeros((MAX_DET, 6), dtype=jnp.float32))


def reference(cls0, cls1, cls2, cnt0, cnt1, cnt2, reg0, reg1, reg2):
    cand = _candidates([cls0, cls1, cls2], [cnt0, cnt1, cnt2], [reg0, reg1, reg2])
    B = cand.shape[0]
    outs = []
    for i in range(B):
        det = _nms_jax(cand[i])
        outs.append(det)
    return jnp.stack(outs)

if __name__ == "__main__":
    import jax
    _d = setup_inputs()
    print(jax.jit(kernel)(*tuple(_d.values())))

</pallas_src>

<mosaic_0001>
#map = affine_map<(d0, d1) -> (0, 0, 0)>
#map1 = affine_map<(d0, d1) -> (0, 0)>
module attributes {stable_mosaic.version = 14 : i64} {
  func.func @nms_kernel(%arg0: i32, %arg1: i32, %arg2: memref<4x8x5376xf32, #tpu.memory_space<hbm>>, %arg3: memref<4x640xf32, #tpu.memory_space<hbm>>, %arg4: memref<8x5376xf32, #tpu.memory_space<vmem>>, %arg5: memref<7x1104xf32, #tpu.memory_space<vmem>>, %arg6: memref<640xf32, #tpu.memory_space<vmem>>) attributes {dimension_semantics = [#tpu.dimension_semantics<core_parallel>, #tpu.dimension_semantics<subcore_parallel>], iteration_bounds = array<i64: 2, 16>, scalar_prefetch = 0 : i64, scratch_operands = 3 : i64, tpu.core_type = #tpu.core_type<sc_vector_subcore>, window_params = [{transform_indices = #map}, {transform_indices = #map1}]} {
    %mul3A = arith.constant 2 : i32
    %mul3A_0 = arith.muli %arg1, %mul3A : i32
    %add3A = arith.addi %mul3A_0, %arg0 : i32
    %lt3A = arith.constant 4 : i32
    %lt3A_1 = arith.cmpi slt, %add3A, %lt3A : i32
    %convert_element_type3A = arith.extui %lt3A_1 : i1 to i32
    %cond3A = arith.constant 0 : i32
    %cond3A_2 = arith.cmpi ne, %convert_element_type3A, %cond3A : i32
    scf.if %cond3A_2 {
      "tpu.region"() ({
        %run_scoped3A = tpu.sem_alloc : memref<!tpu.dma_semaphore, #tpu.memory_space<semaphore_mem>>
        %dma_start3A = arith.constant 0 : i32
        %dma_start3A_70 = arith.constant 0 : i32
        %dma_start3A_71 = tpu.memref_slice %arg2[%add3A, %dma_start3A, %dma_start3A_70] : memref<4x8x5376xf32, #tpu.memory_space<hbm>> -> memref<1x8x5376xf32, #tpu.memory_space<hbm>>
        %dma_start3A_72 = tpu.memref_squeeze %dma_start3A_71 : memref<1x8x5376xf32, #tpu.memory_space<hbm>> -> memref<8x5376xf32, #tpu.memory_space<hbm>>
        %dma_start3A_73 = arith.constant 0 : i32
        %dma_start3A_74 = arith.constant 0 : i32
        %dma_start3A_75 = tpu.memref_slice %arg2[%add3A, %dma_start3A_73, %dma_start3A_74] : memref<4x8x5376xf32, #tpu.memory_space<hbm>> -> memref<1x8x5376xf32, #tpu.memory_space<hbm>>
        %dma_start3A_76 = tpu.memref_squeeze %dma_start3A_75 : memref<1x8x5376xf32, #tpu.memory_space<hbm>> -> memref<8x5376xf32, #tpu.memory_space<hbm>>
        tpu.enqueue_dma source(%dma_start3A_76 : memref<8x5376xf32, #tpu.memory_space<hbm>>) target(%arg4 : memref<8x5376xf32, #tpu.memory_space<vmem>>) target_semaphore(%run_scoped3A : memref<!tpu.dma_semaphore, #tpu.memory_space<semaphore_mem>>)
        %dma_wait3A = arith.constant 0 : i32
        %dma_wait3A_77 = arith.constant 0 : i32
        %dma_wait3A_78 = tpu.memref_slice %arg2[%add3A, %dma_wait3A, %dma_wait3A_77] : memref<4x8x5376xf32, #tpu.memory_space<hbm>> -> memref<1x8x5376xf32, #tpu.memory_space<hbm>>
        %dma_wait3A_79 = tpu.memref_squeeze %dma_wait3A_78 : memref<1x8x5376xf32, #tpu.memory_space<hbm>> -> memref<8x5376xf32, #tpu.memory_space<hbm>>
        %dma_wait3A_80 = arith.constant 0 : i32
        %dma_wait3A_81 = arith.constant 0 : i32
        %dma_wait3A_82 = tpu.memref_slice %arg2[%add3A, %dma_wait3A_80, %dma_wait3A_81] : memref<4x8x5376xf32, #tpu.memory_space<hbm>> -> memref<1x8x5376xf32, #tpu.memory_space<hbm>>
        %dma_wait3A_83 = tpu.memref_squeeze %dma_wait3A_82 : memref<1x8x5376xf32, #tpu.memory_space<hbm>> -> memref<8x5376xf32, #tpu.memory_space<hbm>>
        tpu.wait_dma2 semaphore(%run_scoped3A : memref<!tpu.dma_semaphore, #tpu.memory_space<semaphore_mem>>) src(%dma_wait3A_83 : memref<8x5376xf32, #tpu.memory_space<hbm>>) dst(%arg4 : memref<8x5376xf32, #tpu.memory_space<vmem>>)
        tpu.yield
      }) : () -> ()
      %iota3A = tpu.iota {dimensions = array<i32: 0>} : vector<16xi32>
      %broadcast_in_dim3A = arith.constant 0.000000e+00 : f32
      %broadcast_in_dim3A_3 = vector.broadcast %broadcast_in_dim3A : f32 to vector<16xf32>
      %scan3A = arith.constant 0 : i32
      %scan3A_4 = arith.constant 0 : i32
      %scan3A_5 = arith.constant 40 : i32
      %scan3A_6 = arith.addi %scan3A_4, %scan3A_5 : i32
      %scan3A_7 = arith.constant 1 : i32
      scf.for %scan3A_70 = %scan3A_4 to %scan3A_6 step %scan3A_7  : i32 {
        %mul3A_71 = arith.constant 16 : i32
        %mul3A_72 = arith.muli %scan3A_70, %mul3A_71 : i32
        %swap3A = arith.index_cast %mul3A_72 : i32 to index
        %swap3A_73 = tpu.vector_load %arg6[%swap3A] {strides = array<i32>} : memref<640xf32, #tpu.memory_space<vmem>>, vector<16xf32>,
        tpu.vector_store %arg6[%swap3A], %broadcast_in_dim3A_3 {strides = array<i32>} : memref<640xf32, #tpu.memory_space<vmem>>, vector<16xf32>,
      }
      %scan3A_8 = arith.constant 40 : i32
      %broadcast_in_dim3A_9 = arith.constant 0 : i32
      %broadcast_in_dim3A_10 = vector.broadcast %broadcast_in_dim3A_9 : i32 to vector<16xi32>
      %broadcast_in_dim3A_11 = arith.constant -3.400000e+38 : f32
      %broadcast_in_dim3A_12 = vector.broadcast %broadcast_in_dim3A_11 : f32 to vector<16xf32>
      %broadcast_in_dim3A_13 = arith.constant 0 : i32
      %broadcast_in_dim3A_14 = vector.broadcast %broadcast_in_dim3A_13 : i32 to vector<16xi32>
      %scan3A_15 = arith.constant 0 : i32
      %scan3A_16 = arith.constant 336 : i32
      %scan3A_17 = arith.addi %scan3A_15, %scan3A_16 : i32
      %scan3A_18 = arith.constant 1 : i32
      %scan3A_19:3 = scf.for %scan3A_70 = %scan3A_15 to %scan3A_17 step %scan3A_18 iter_args(%scan3A_71 = %broadcast_in_dim3A_10, %scan3A_72 = %broadcast_in_dim3A_12, %scan3A_73 = %broadcast_in_dim3A_14) -> (vector<16xi32>, vector<16xf32>, vector<16xi32>)  : i32 {
        %mul3A_74 = arith.constant 16 : i32
        %mul3A_75 = arith.muli %scan3A_70, %mul3A_74 : i32
        %get3A = arith.constant 0 : i32
        %get3A_76 = arith.index_cast %get3A : i32 to index
        %get3A_77 = arith.index_cast %mul3A_75 : i32 to index
        %get3A_78 = tpu.vector_load %arg4[%get3A_76, %get3A_77] {strides = array<i32>} : memref<8x5376xf32, #tpu.memory_space<vmem>>, vector<16xf32>,
        %gt3A = arith.constant -1.000000e+00 : f32
        %gt3A_79 = vector.broadcast %gt3A : f32 to vector<16xf32>
        %gt3A_80 = arith.cmpf ogt, %get3A_78, %gt3A_79 : vector<16xf32>
        %convert_element_type3A_81 = arith.extui %gt3A_80 : vector<16xi1> to vector<16xi32>
        %broadcast_in_dim3A_82 = arith.constant true
        %broadcast_in_dim3A_83 = vector.broadcast %broadcast_in_dim3A_82 : i1 to vector<16xi1>
        %masked_cumsum3A = tpu.scan <sum>, %convert_element_type3A_81 masked %broadcast_in_dim3A_83 : vector<16xi32>, vector<16xi1> -> vector<16xi32>
        %add3A_84 = arith.addi %scan3A_71, %masked_cumsum3A : vector<16xi32>
        %sub3A_85 = arith.constant 1 : i32
        %sub3A_86 = vector.broadcast %sub3A_85 : i32 to vector<16xi32>
        %sub3A_87 = arith.subi %add3A_84, %sub3A_86 : vector<16xi32>
        %min3A = arith.constant 1039 : i32
        %min3A_88 = vector.broadcast %min3A : i32 to vector<16xi32>
        %min3A_89 = arith.minsi %sub3A_87, %min3A_88 : vector<16xi32>
        %broadcast_in_dim3A_90 = arith.constant 0 : i32
        %broadcast_in_dim3A_91 = vector.broadcast %broadcast_in_dim3A_90 : i32 to vector<16xi32>
        tpu.vector_store_idx %arg5[%broadcast_in_dim3A_91, %min3A_89], %get3A_78 masked %gt3A_80 : memref<7x1104xf32, #tpu.memory_space<vmem>>[vector<16xi32>, vector<16xi32>], vector<16xf32>, vector<16xi1>
        %get3A_92 = arith.constant 1 : i32
        %get3A_93 = arith.index_cast %get3A_92 : i32 to index
        %get3A_94 = arith.index_cast %mul3A_75 : i32 to index
        %get3A_95 = tpu.vector_load %arg4[%get3A_93, %get3A_94] {strides = array<i32>} : memref<8x5376xf32, #tpu.memory_space<vmem>>, vector<16xf32>,
        %broadcast_in_dim3A_96 = arith.constant 1 : i32
        %broadcast_in_dim3A_97 = vector.broadcast %broadcast_in_dim3A_96 : i32 to vector<16xi32>
        tpu.vector_store_idx %arg5[%broadcast_in_dim3A_97, %min3A_89], %get3A_95 masked %gt3A_80 : memref<7x1104xf32, #tpu.memory_space<vmem>>[vector<16xi32>, vector<16xi32>], vector<16xf32>, vector<16xi1>
        %get3A_98 = arith.constant 2 : i32
        %get3A_99 = arith.index_cast %get3A_98 : i32 to index
        %get3A_100 = arith.index_cast %mul3A_75 : i32 to index
        %get3A_101 = tpu.vector_load %arg4[%get3A_99, %get3A_100] {strides = array<i32>} : memref<8x5376xf32, #tpu.memory_space<vmem>>, vector<16xf32>,
        %broadcast_in_dim3A_102 = arith.constant 2 : i32
        %broadcast_in_dim3A_103 = vector.broadcast %broadcast_in_dim3A_102 : i32 to vector<16xi32>
        tpu.vector_store_idx %arg5[%broadcast_in_dim3A_103, %min3A_89], %get3A_101 masked %gt3A_80 : memref<7x1104xf32, #tpu.memory_space<vmem>>[vector<16xi32>, vector<16xi32>], vector<16xf32>, vector<16xi1>
        %get3A_104 = arith.constant 3 : i32
        %get3A_105 = arith.index_cast %get3A_104 : i32 to index
        %get3A_106 = arith.index_cast %mul3A_75 : i32 to index
        %get3A_107 = tpu.vector_load %arg4[%get3A_105, %get3A_106] {strides = array<i32>} : memref<8x5376xf32, #tpu.memory_space<vmem>>, vector<16xf32>,
        %broadcast_in_dim3A_108 = arith.constant 3 : i32
        %broadcast_in_dim3A_109 = vector.broadcast %broadcast_in_dim3A_108 : i32 to vector<16xi32>
        tpu.vector_store_idx %arg5[%broadcast_in_dim3A_109, %min3A_89], %get3A_107 masked %gt3A_80 : memref<7x1104xf32, #tpu.memory_space<vmem>>[vector<16xi32>, vector<16xi32>], vector<16xf32>, vector<16xi1>
        %get3A_110 = arith.constant 4 : i32
        %get3A_111 = arith.index_cast %get3A_110 : i32 to index
        %get3A_112 = arith.index_cast %mul3A_75 : i32 to index
        %get3A_113 = tpu.vector_load %arg4[%get3A_111, %get3A_112] {strides = array<i32>} : memref<8x5376xf32, #tpu.memory_space<vmem>>, vector<16xf32>,
        %broadcast_in_dim3A_114 = arith.constant 4 : i32
        %broadcast_in_dim3A_115 = vector.broadcast %broadcast_in_dim3A_114 : i32 to vector<16xi32>
        tpu.vector_store_idx %arg5[%broadcast_in_dim3A_115, %min3A_89], %get3A_113 masked %gt3A_80 : memref<7x1104xf32, #tpu.memory_space<vmem>>[vector<16xi32>, vector<16xi32>], vector<16xf32>, vector<16xi1>
        %get3A_116 = arith.constant 5 : i32
        %get3A_117 = arith.index_cast %get3A_116 : i32 to index
        %get3A_118 = arith.index_cast %mul3A_75 : i32 to index
        %get3A_119 = tpu.vector_load %arg4[%get3A_117, %get3A_118] {strides = array<i32>} : memref<8x5376xf32, #tpu.memory_space<vmem>>, vector<16xf32>,
        %broadcast_in_dim3A_120 = arith.constant 5 : i32
        %broadcast_in_dim3A_121 = vector.broadcast %broadcast_in_dim3A_120 : i32 to vector<16xi32>
        tpu.vector_store_idx %arg5[%broadcast_in_dim3A_121, %min3A_89], %get3A_119 masked %gt3A_80 : memref<7x1104xf32, #tpu.memory_space<vmem>>[vector<16xi32>, vector<16xi32>], vector<16xf32>, vector<16xi1>
        %get3A_122 = arith.constant 6 : i32
        %get3A_123 = arith.index_cast %get3A_122 : i32 to index
        %get3A_124 = arith.index_cast %mul3A_75 : i32 to index
        %get3A_125 = tpu.vector_load %arg4[%get3A_123, %get3A_124] {strides = array<i32>} : memref<8x5376xf32, #tpu.memory_space<vmem>>, vector<16xf32>,
        %broadcast_in_dim3A_126 = arith.constant 6 : i32
        %broadcast_in_dim3A_127 = vector.broadcast %broadcast_in_dim3A_126 : i32 to vector<16xi32>
        tpu.vector_store_idx %arg5[%broadcast_in_dim3A_127, %min3A_89], %get3A_125 masked %gt3A_80 : memref<7x1104xf32, #tpu.memory_space<vmem>>[vector<16xi32>, vector<16xi32>], vector<16xf32>, vector<16xi1>
        %gt3A_128 = arith.cmpf ogt, %get3A_78, %scan3A_72 : vector<16xf32>
        %and3A_129 = arith.andi %gt3A_80, %gt3A_128 : vector<16xi1>
        %select_n3A_130 = arith.select %and3A_129, %min3A_89, %scan3A_73 : vector<16xi1>, vector<16xi32>
        %select_n3A_131 = arith.select %and3A_129, %get3A_78, %scan3A_72 : vector<16xi1>, vector<16xf32>
        %all_reduce_population_count3A = tpu.all_reduce %gt3A_80 {dim = 0 : i64, kind = #tpu.reduction_kind<sum>} : vector<16xi1> -> vector<16xi32>
        %add3A_132 = arith.addi %scan3A_71, %all_reduce_population_count3A : vector<16xi32>
        %min3A_133 = arith.constant 1024 : i32
        %min3A_134 = vector.broadcast %min3A_133 : i32 to vector<16xi32>
        %min3A_135 = arith.minsi %add3A_132, %min3A_134 : vector<16xi32>
        scf.yield %min3A_135, %select_n3A_131, %select_n3A_130 : vector<16xi32>, vector<16xf32>, vector<16xi32>
      }
      %scan3A_20 = arith.constant 336 : i32
      %slice3A = vector.extract_strided_slice %scan3A_19#0 {offsets = [0], sizes = [1], strides = [1]} : vector<16xi32> to vector<1xi32>
      %squeeze3A = vector.extract %slice3A[0] : i32 from vector<1xi32>
      %broadcast_in_dim3A_21 = arith.constant 0 : i32
      %broadcast_in_dim3A_22 = vector.broadcast %broadcast_in_dim3A_21 : i32 to vector<16xi32>
      %add3A_23 = arith.constant 0 : i32
      %add3A_24 = arith.addi %squeeze3A, %add3A_23 : i32
      %add3A_25 = vector.broadcast %add3A_24 : i32 to vector<16xi32>
      %add3A_26 = arith.addi %add3A_25, %iota3A : vector<16xi32>
      %broadcast_in_dim3A_27 = arith.constant -2.000000e+00 : f32
      %broadcast_in_dim3A_28 = vector.broadcast %broadcast_in_dim3A_27 : f32 to vector<16xf32>
      tpu.vector_store_idx %arg5[%broadcast_in_dim3A_22, %add3A_26], %broadcast_in_dim3A_28 : memref<7x1104xf32, #tpu.memory_space<vmem>>[vector<16xi32>, vector<16xi32>], vector<16xf32>,
      %add3A_29 = arith.constant 15 : i32
      %add3A_30 = arith.addi %squeeze3A, %add3A_29 : i32
      %jit3A = arith.constant 16 : i32
      %div3A = arith.divsi %add3A_30, %jit3A : i32
      %sign3A = arith.constant 0 : i32
      %sign3A_31 = arith.cmpi sgt, %add3A_30, %sign3A : i32
      %sign3A_32 = arith.extui %sign3A_31 : i1 to i32
      %sign3A_33 = arith.constant 0 : i32
      %sign3A_34 = arith.cmpi slt, %add3A_30, %sign3A_33 : i32
      %sign3A_35 = arith.extui %sign3A_34 : i1 to i32
      %sign3A_36 = arith.subi %sign3A_32, %sign3A_35 : i32
      %sign3A_37 = arith.constant 0 : i32
      %sign3A_38 = arith.cmpi sgt, %jit3A, %sign3A_37 : i32
      %sign3A_39 = arith.extui %sign3A_38 : i1 to i32
      %sign3A_40 = arith.constant 0 : i32
      %sign3A_41 = arith.cmpi slt, %jit3A, %sign3A_40 : i32
      %sign3A_42 = arith.extui %sign3A_41 : i1 to i32
      %sign3A_43 = arith.subi %sign3A_39, %sign3A_42 : i32
      %ne3A = arith.cmpi ne, %sign3A_36, %sign3A_43 : i32
      %rem3A = arith.remsi %add3A_30, %jit3A : i32
      %ne3A_44 = arith.constant 0 : i32
      %ne3A_45 = arith.cmpi ne, %rem3A, %ne3A_44 : i32
      %and3A = arith.andi %ne3A, %ne3A_45 : i1
      %sub3A = arith.constant 1 : i32
      %sub3A_46 = arith.subi %div3A, %sub3A : i32
      %select_n3A = arith.select %and3A, %sub3A_46, %div3A : i32
      %reduce_max3A = arith.constant true
      %reduce_max3A_47 = vector.broadcast %reduce_max3A : i1 to vector<16xi1>
      %reduce_max3A_48 = tpu.scan <max>, %scan3A_19#1 masked %reduce_max3A_47 : vector<16xf32>, vector<16xi1> -> vector<16xf32>
      %reduce_max3A_49 = vector.extract %reduce_max3A_48[15] : f32 from vector<16xf32>
      %eq3A = vector.broadcast %reduce_max3A_49 : f32 to vector<16xf32>
      %eq3A_50 = arith.cmpf oeq, %scan3A_19#1, %eq3A : vector<16xf32>
      %jit3A_51 = arith.constant 1073741824 : i32
      %broadcast_in_dim3A_52 = vector.broadcast %jit3A_51 : i32 to vector<16xi32>
      %select_n3A_53 = arith.select %eq3A_50, %scan3A_19#2, %broadcast_in_dim3A_52 : vector<16xi1>, vector<16xi32>
      %reduce_min3A = arith.constant true
      %reduce_min3A_54 = vector.broadcast %reduce_min3A : i1 to vector<16xi1>
      %reduce_min3A_55 = arith.constant -2147483648 : i32
      %reduce_min3A_56 = vector.broadcast %reduce_min3A_55 : i32 to vector<16xi32>
      %reduce_min3A_57 = arith.xori %select_n3A_53, %reduce_min3A_56 : vector<16xi32>
      %reduce_min3A_58 = tpu.scan <min>, %reduce_min3A_57 masked %reduce_min3A_54 : vector<16xi32>, vector<16xi1> -> vector<16xi32>
      %reduce_min3A_59 = arith.xori %reduce_min3A_58, %reduce_min3A_56 : vector<16xi32>
      %reduce_min3A_60 = vector.extract %reduce_min3A_59[15] : i32 from vector<16xi32>
      %scan3A_61 = arith.constant -3.400000e+38 : f32
      %scan3A_62 = arith.constant 1073741824 : i32
      %scan3A_63 = arith.constant 0 : i32
      %scan3A_64 = arith.constant 0 : i32
      %scan3A_65 = arith.constant 100 : i32
      %scan3A_66 = arith.addi %scan3A_64, %scan3A_65 : i32
      %scan3A_67 = arith.constant 1 : i32
      %scan3A_68:3 = scf.for %scan3A_70 = %scan3A_64 to %scan3A_66 step %scan3A_67 iter_args(%scan3A_71 = %scan3A_63, %scan3A_72 = %reduce_max3A_49, %scan3A_73 = %reduce_min3A_60) -> (i32, f32, i32)  : i32 {
        %gt3A = arith.constant 5.000000e-02 : f32
        %gt3A_74 = arith.cmpf ogt, %scan3A_72, %gt3A : f32
        %convert_element_type3A_75 = arith.extui %gt3A_74 : i1 to i32
        %cond3A_76 = arith.constant 0 : i32
        %cond3A_77 = arith.cmpi ne, %convert_element_type3A_75, %cond3A_76 : i32
        %cond3A_78:3 = scf.if %cond3A_77 -> (i32, f32, i32) {
          %min3A = arith.constant 6 : i32
          %min3A_79 = vector.broadcast %min3A : i32 to vector<16xi32>
          %min3A_80 = arith.minsi %iota3A, %min3A_79 : vector<16xi32>
          %broadcast_in_dim3A_81 = vector.broadcast %scan3A_73 : i32 to vector<16xi32>
          %gather3A = tpu.vector_load_idx %arg5[%min3A_80, %broadcast_in_dim3A_81] : memref<7x1104xf32, #tpu.memory_space<vmem>>[vector<16xi32>, vector<16xi32>], vector<16xf32>,
          %slice3A_82 = vector.extract_strided_slice %gather3A {offsets = [1], sizes = [1], strides = [1]} : vector<16xf32> to vector<1xf32>
          %squeeze3A_83 = vector.extract %slice3A_82[0] : f32 from vector<1xf32>
          %slice3A_84 = vector.extract_strided_slice %gather3A {offsets = [2], sizes = [1], strides = [1]} : vector<16xf32> to vector<1xf32>
          %squeeze3A_85 = vector.extract %slice3A_84[0] : f32 from vector<1xf32>
          %slice3A_86 = vector.extract_strided_slice %gather3A {offsets = [3], sizes = [1], strides = [1]} : vector<16xf32> to vector<1xf32>
          %squeeze3A_87 = vector.extract %slice3A_86[0] : f32 from vector<1xf32>
          %slice3A_88 = vector.extract_strided_slice %gather3A {offsets = [4], sizes = [1], strides = [1]} : vector<16xf32> to vector<1xf32>
          %squeeze3A_89 = vector.extract %slice3A_88[0] : f32 from vector<1xf32>
          %slice3A_90 = vector.extract_strided_slice %gather3A {offsets = [5], sizes = [1], strides = [1]} : vector<16xf32> to vector<1xf32>
          %squeeze3A_91 = vector.extract %slice3A_90[0] : f32 from vector<1xf32>
          %slice3A_92 = vector.extract_strided_slice %gather3A {offsets = [6], sizes = [1], strides = [1]} : vector<16xf32> to vector<1xf32>
          %squeeze3A_93 = vector.extract %slice3A_92[0] : f32 from vector<1xf32>
          %eq3A_94 = arith.constant 0 : i32
          %eq3A_95 = vector.broadcast %eq3A_94 : i32 to vector<16xi32>
          %eq3A_96 = arith.cmpi eq, %iota3A, %eq3A_95 : vector<16xi32>
          %eq3A_97 = arith.constant 1 : i32
          %eq3A_98 = vector.broadcast %eq3A_97 : i32 to vector<16xi32>
          %eq3A_99 = arith.cmpi eq, %iota3A, %eq3A_98 : vector<16xi32>
          %eq3A_100 = arith.constant 2 : i32
          %eq3A_101 = vector.broadcast %eq3A_100 : i32 to vector<16xi32>
          %eq3A_102 = arith.cmpi eq, %iota3A, %eq3A_101 : vector<16xi32>
          %eq3A_103 = arith.constant 3 : i32
          %eq3A_104 = vector.broadcast %eq3A_103 : i32 to vector<16xi32>
          %eq3A_105 = arith.cmpi eq, %iota3A, %eq3A_104 : vector<16xi32>
          %eq3A_106 = arith.constant 4 : i32
          %eq3A_107 = vector.broadcast %eq3A_106 : i32 to vector<16xi32>
          %eq3A_108 = arith.cmpi eq, %iota3A, %eq3A_107 : vector<16xi32>
          %eq3A_109 = arith.constant 5 : i32
          %eq3A_110 = vector.broadcast %eq3A_109 : i32 to vector<16xi32>
          %eq3A_111 = arith.cmpi eq, %iota3A, %eq3A_110 : vector<16xi32>
          %jit3A_112 = arith.constant 0.000000e+00 : f32
          %broadcast_in_dim3A_113 = vector.broadcast %scan3A_72 : f32 to vector<16xf32>
          %broadcast_in_dim3A_114 = vector.broadcast %jit3A_112 : f32 to vector<16xf32>
          %select_n3A_115 = arith.select %eq3A_111, %broadcast_in_dim3A_113, %broadcast_in_dim3A_114 : vector<16xi1>, vector<16xf32>
          %broadcast_in_dim3A_116 = vector.broadcast %squeeze3A_93 : f32 to vector<16xf32>
          %select_n3A_117 = arith.select %eq3A_108, %broadcast_in_dim3A_116, %select_n3A_115 : vector<16xi1>, vector<16xf32>
          %broadcast_in_dim3A_118 = vector.broadcast %squeeze3A_89 : f32 to vector<16xf32>
          %select_n3A_119 = arith.select %eq3A_105, %broadcast_in_dim3A_118, %select_n3A_117 : vector<16xi1>, vector<16xf32>
          %broadcast_in_dim3A_120 = vector.broadcast %squeeze3A_87 : f32 to vector<16xf32>
          %select_n3A_121 = arith.select %eq3A_102, %broadcast_in_dim3A_120, %select_n3A_119 : vector<16xi1>, vector<16xf32>
          %broadcast_in_dim3A_122 = vector.broadcast %squeeze3A_85 : f32 to vector<16xf32>
          %select_n3A_123 = arith.select %eq3A_99, %broadcast_in_dim3A_122, %select_n3A_121 : vector<16xi1>, vector<16xf32>
          %broadcast_in_dim3A_124 = vector.broadcast %squeeze3A_83 : f32 to vector<16xf32>
          %select_n3A_125 = arith.select %eq3A_96, %broadcast_in_dim3A_124, %select_n3A_123 : vector<16xi1>, vector<16xf32>
          %mul3A_126 = arith.constant 6 : i32
          %mul3A_127 = arith.muli %scan3A_71, %mul3A_126 : i32
          %min3A_128 = arith.constant 5 : i32
          %min3A_129 = vector.broadcast %min3A_128 : i32 to vector<16xi32>
          %min3A_130 = arith.minsi %iota3A, %min3A_129 : vector<16xi32>
          %add3A_131 = vector.broadcast %mul3A_127 : i32 to vector<16xi32>
          %add3A_132 = arith.addi %add3A_131, %min3A_130 : vector<16xi32>
          %lt3A_133 = arith.constant 6 : i32
          %lt3A_134 = vector.broadcast %lt3A_133 : i32 to vector<16xi32>
          %lt3A_135 = arith.cmpi slt, %iota3A, %lt3A_134 : vector<16xi32>
          tpu.vector_store_idx %arg6[%add3A_132], %select_n3A_125 masked %lt3A_135 : memref<640xf32, #tpu.memory_space<vmem>>[vector<16xi32>], vector<16xf32>, vector<16xi1>
          %broadcast_in_dim3A_136 = vector.broadcast %scan3A_61 : f32 to vector<16xf32>
          %broadcast_in_dim3A_137 = arith.constant 0 : i32
          %broadcast_in_dim3A_138 = vector.broadcast %broadcast_in_dim3A_137 : i32 to vector<16xi32>
          %while3A = arith.constant 0 : i32
          %while3A_139 = arith.subi %select_n3A, %while3A : i32
          %while3A_140 = arith.addi %while3A, %while3A_139 : i32
          %while3A_141 = arith.constant 1 : i32
          %while3A_142 = arith.divsi %while3A_139, %while3A_141 : i32
          %while3A_143 = arith.muli %while3A_142, %while3A_141 : i32
          %while3A_144 = arith.addi %while3A, %while3A_143 : i32
          %while3A_145 = arith.constant 1 : i32
          %while3A_146:2 = scf.for %while3A_167 = %while3A to %while3A_144 step %while3A_145 iter_args(%while3A_168 = %broadcast_in_dim3A_136, %while3A_169 = %broadcast_in_dim3A_138) -> (vector<16xf32>, vector<16xi32>)  : i32 {
            %mul3A_170 = arith.constant 1 : i32
            %mul3A_171 = arith.muli %while3A_167, %mul3A_170 : i32
            %add3A_172 = arith.constant 0 : i32
            %add3A_173 = arith.addi %mul3A_171, %add3A_172 : i32
            %mul3A_174 = arith.constant 16 : i32
            %mul3A_175 = arith.muli %add3A_173, %mul3A_174 : i32
            %get3A = arith.constant 0 : i32
            %get3A_176 = arith.index_cast %get3A : i32 to index
            %get3A_177 = arith.index_cast %mul3A_175 : i32 to index
            %get3A_178 = tpu.vector_load %arg5[%get3A_176, %get3A_177] {strides = array<i32>} : memref<7x1104xf32, #tpu.memory_space<vmem>>, vector<16xf32>,
            %get3A_179 = arith.constant 1 : i32
            %get3A_180 = arith.index_cast %get3A_179 : i32 to index
            %get3A_181 = arith.index_cast %mul3A_175 : i32 to index
            %get3A_182 = tpu.vector_load %arg5[%get3A_180, %get3A_181] {strides = array<i32>} : memref<7x1104xf32, #tpu.memory_space<vmem>>, vector<16xf32>,
            %get3A_183 = arith.constant 2 : i32
            %get3A_184 = arith.index_cast %get3A_183 : i32 to index
            %get3A_185 = arith.index_cast %mul3A_175 : i32 to index
            %get3A_186 = tpu.vector_load %arg5[%get3A_184, %get3A_185] {strides = array<i32>} : memref<7x1104xf32, #tpu.memory_space<vmem>>, vector<16xf32>,
            %get3A_187 = arith.constant 3 : i32
            %get3A_188 = arith.index_cast %get3A_187 : i32 to index
            %get3A_189 = arith.index_cast %mul3A_175 : i32 to index
            %get3A_190 = tpu.vector_load %arg5[%get3A_188, %get3A_189] {strides = array<i32>} : memref<7x1104xf32, #tpu.memory_space<vmem>>, vector<16xf32>,
            %get3A_191 = arith.constant 4 : i32
            %get3A_192 = arith.index_cast %get3A_191 : i32 to index
            %get3A_193 = arith.index_cast %mul3A_175 : i32 to index
            %get3A_194 = tpu.vector_load %arg5[%get3A_192, %get3A_193] {strides = array<i32>} : memref<7x1104xf32, #tpu.memory_space<vmem>>, vector<16xf32>,
            %get3A_195 = arith.constant 5 : i32
            %get3A_196 = arith.index_cast %get3A_195 : i32 to index
            %get3A_197 = arith.index_cast %mul3A_175 : i32 to index
            %get3A_198 = tpu.vector_load %arg5[%get3A_196, %get3A_197] {strides = array<i32>} : memref<7x1104xf32, #tpu.memory_space<vmem>>, vector<16xf32>,
            %max3A = vector.broadcast %squeeze3A_83 : f32 to vector<16xf32>
            %max3A_199 = arith.maximumf %max3A, %get3A_182 : vector<16xf32>
            %max3A_200 = vector.broadcast %squeeze3A_85 : f32 to vector<16xf32>
            %max3A_201 = arith.maximumf %max3A_200, %get3A_186 : vector<16xf32>
            %min3A_202 = vector.broadcast %squeeze3A_87 : f32 to vector<16xf32>
            %min3A_203 = arith.minimumf %min3A_202, %get3A_190 : vector<16xf32>
            %min3A_204 = vector.broadcast %squeeze3A_89 : f32 to vector<16xf32>
            %min3A_205 = arith.minimumf %min3A_204, %get3A_194 : vector<16xf32>
            %sub3A_206 = arith.subf %min3A_203, %max3A_199 : vector<16xf32>
            %max3A_207 = arith.constant 0.000000e+00 : f32
            %max3A_208 = vector.broadcast %max3A_207 : f32 to vector<16xf32>
            %max3A_209 = arith.maximumf %sub3A_206, %max3A_208 : vector<16xf32>
            %sub3A_210 = arith.subf %min3A_205, %max3A_201 : vector<16xf32>
            %max3A_211 = arith.constant 0.000000e+00 : f32
            %max3A_212 = vector.broadcast %max3A_211 : f32 to vector<16xf32>
            %max3A_213 = arith.maximumf %sub3A_210, %max3A_212 : vector<16xf32>
            %mul3A_214 = arith.mulf %max3A_209, %max3A_213 : vector<16xf32>
            %add3A_215 = vector.broadcast %squeeze3A_91 : f32 to vector<16xf32>
            %add3A_216 = arith.addf %add3A_215, %get3A_198 : vector<16xf32>
            %sub3A_217 = arith.subf %add3A_216, %mul3A_214 : vector<16xf32>
            %add3A_218 = arith.constant 9.99999971E-10 : f32
            %add3A_219 = vector.broadcast %add3A_218 : f32 to vector<16xf32>
            %add3A_220 = arith.addf %sub3A_217, %add3A_219 : vector<16xf32>
            %div3A_221 = arith.divf %mul3A_214, %add3A_220 : vector<16xf32>
            %gt3A_222 = arith.constant 5.000000e-01 : f32
            %gt3A_223 = vector.broadcast %gt3A_222 : f32 to vector<16xf32>
            %gt3A_224 = arith.cmpf ogt, %div3A_221, %gt3A_223 : vector<16xf32>
            %jit3A_225 = arith.constant -2.000000e+00 : f32
            %broadcast_in_dim3A_226 = vector.broadcast %jit3A_225 : f32 to vector<16xf32>
            %select_n3A_227 = arith.select %gt3A_224, %broadcast_in_dim3A_226, %get3A_178 : vector<16xi1>, vector<16xf32>
            %swap3A = arith.constant 0 : i32
            %swap3A_228 = arith.index_cast %swap3A : i32 to index
            %swap3A_229 = arith.index_cast %mul3A_175 : i32 to index
            %swap3A_230 = tpu.vector_load %arg5[%swap3A_228, %swap3A_229] {strides = array<i32>} : memref<7x1104xf32, #tpu.memory_space<vmem>>, vector<16xf32>,
            tpu.vector_store %arg5[%swap3A_228, %swap3A_229], %select_n3A_227 {strides = array<i32>} : memref<7x1104xf32, #tpu.memory_space<vmem>>, vector<16xf32>,
            %add3A_231 = vector.broadcast %mul3A_175 : i32 to vector<16xi32>
            %add3A_232 = arith.addi %add3A_231, %iota3A : vector<16xi32>
            %gt3A_233 = arith.cmpf ogt, %select_n3A_227, %while3A_168 : vector<16xf32>
            %select_n3A_234 = arith.select %gt3A_233, %add3A_232, %while3A_169 : vector<16xi1>, vector<16xi32>
            %select_n3A_235 = arith.select %gt3A_233, %select_n3A_227, %while3A_168 : vector<16xi1>, vector<16xf32>
            scf.yield %select_n3A_235, %select_n3A_234 : vector<16xf32>, vector<16xi32>
          }
          %while3A_147 = arith.constant 1 : i32
          %while3A_148:2 = scf.for %while3A_167 = %while3A_144 to %while3A_140 step %while3A_147 iter_args(%while3A_168 = %while3A_146#0, %while3A_169 = %while3A_146#1) -> (vector<16xf32>, vector<16xi32>)  : i32 {
            %mul3A_170 = arith.constant 1 : i32
            %mul3A_171 = arith.muli %while3A_167, %mul3A_170 : i32
            %add3A_172 = arith.constant 0 : i32
            %add3A_173 = arith.addi %mul3A_171, %add3A_172 : i32
            %mul3A_174 = arith.constant 16 : i32
            %mul3A_175 = arith.muli %add3A_173, %mul3A_174 : i32
            %get3A = arith.constant 0 : i32
            %get3A_176 = arith.index_cast %get3A : i32 to index
            %get3A_177 = arith.index_cast %mul3A_175 : i32 to index
            %get3A_178 = tpu.vector_load %arg5[%get3A_176, %get3A_177] {strides = array<i32>} : memref<7x1104xf32, #tpu.memory_space<vmem>>, vector<16xf32>,
            %get3A_179 = arith.constant 1 : i32
            %get3A_180 = arith.index_cast %get3A_179 : i32 to index
            %get3A_181 = arith.index_cast %mul3A_175 : i32 to index
            %get3A_182 = tpu.vector_load %arg5[%get3A_180, %get3A_181] {strides = array<i32>} : memref<7x1104xf32, #tpu.memory_space<vmem>>, vector<16xf32>,
            %get3A_183 = arith.constant 2 : i32
            %get3A_184 = arith.index_cast %get3A_183 : i32 to index
            %get3A_185 = arith.index_cast %mul3A_175 : i32 to index
            %get3A_186 = tpu.vector_load %arg5[%get3A_184, %get3A_185] {strides = array<i32>} : memref<7x1104xf32, #tpu.memory_space<vmem>>, vector<16xf32>,
            %get3A_187 = arith.constant 3 : i32
            %get3A_188 = arith.index_cast %get3A_187 : i32 to index
            %get3A_189 = arith.index_cast %mul3A_175 : i32 to index
            %get3A_190 = tpu.vector_load %arg5[%get3A_188, %get3A_189] {strides = array<i32>} : memref<7x1104xf32, #tpu.memory_space<vmem>>, vector<16xf32>,
            %get3A_191 = arith.constant 4 : i32
            %get3A_192 = arith.index_cast %get3A_191 : i32 to index
            %get3A_193 = arith.index_cast %mul3A_175 : i32 to index
            %get3A_194 = tpu.vector_load %arg5[%get3A_192, %get3A_193] {strides = array<i32>} : memref<7x1104xf32, #tpu.memory_space<vmem>>, vector<16xf32>,
            %get3A_195 = arith.constant 5 : i32
            %get3A_196 = arith.index_cast %get3A_195 : i32 to index
            %get3A_197 = arith.index_cast %mul3A_175 : i32 to index
            %get3A_198 = tpu.vector_load %arg5[%get3A_196, %get3A_197] {strides = array<i32>} : memref<7x1104xf32, #tpu.memory_space<vmem>>, vector<16xf32>,
            %max3A = vector.broadcast %squeeze3A_83 : f32 to vector<16xf32>
            %max3A_199 = arith.maximumf %max3A, %get3A_182 : vector<16xf32>
            %max3A_200 = vector.broadcast %squeeze3A_85 : f32 to vector<16xf32>
            %max3A_201 = arith.maximumf %max3A_200, %get3A_186 : vector<16xf32>
            %min3A_202 = vector.broadcast %squeeze3A_87 : f32 to vector<16xf32>
            %min3A_203 = arith.minimumf %min3A_202, %get3A_190 : vector<16xf32>
            %min3A_204 = vector.broadcast %squeeze3A_89 : f32 to vector<16xf32>
            %min3A_205 = arith.minimumf %min3A_204, %get3A_194 : vector<16xf32>
            %sub3A_206 = arith.subf %min3A_203, %max3A_199 : vector<16xf32>
            %max3A_207 = arith.constant 0.000000e+00 : f32
            %max3A_208 = vector.broadcast %max3A_207 : f32 to vector<16xf32>
            %max3A_209 = arith.maximumf %sub3A_206, %max3A_208 : vector<16xf32>
            %sub3A_210 = arith.subf %min3A_205, %max3A_201 : vector<16xf32>
            %max3A_211 = arith.constant 0.000000e+00 : f32
            %max3A_212 = vector.broadcast %max3A_211 : f32 to vector<16xf32>
            %max3A_213 = arith.maximumf %sub3A_210, %max3A_212 : vector<16xf32>
            %mul3A_214 = arith.mulf %max3A_209, %max3A_213 : vector<16xf32>
            %add3A_215 = vector.broadcast %squeeze3A_91 : f32 to vector<16xf32>
            %add3A_216 = arith.addf %add3A_215, %get3A_198 : vector<16xf32>
            %sub3A_217 = arith.subf %add3A_216, %mul3A_214 : vector<16xf32>
            %add3A_218 = arith.constant 9.99999971E-10 : f32
            %add3A_219 = vector.broadcast %add3A_218 : f32 to vector<16xf32>
            %add3A_220 = arith.addf %sub3A_217, %add3A_219 : vector<16xf32>
            %div3A_221 = arith.divf %mul3A_214, %add3A_220 : vector<16xf32>
            %gt3A_222 = arith.constant 5.000000e-01 : f32
            %gt3A_223 = vector.broadcast %gt3A_222 : f32 to vector<16xf32>
            %gt3A_224 = arith.cmpf ogt, %div3A_221, %gt3A_223 : vector<16xf32>
            %jit3A_225 = arith.constant -2.000000e+00 : f32
            %broadcast_in_dim3A_226 = vector.broadcast %jit3A_225 : f32 to vector<16xf32>
            %select_n3A_227 = arith.select %gt3A_224, %broadcast_in_dim3A_226, %get3A_178 : vector<16xi1>, vector<16xf32>
            %swap3A = arith.constant 0 : i32
            %swap3A_228 = arith.index_cast %swap3A : i32 to index
            %swap3A_229 = arith.index_cast %mul3A_175 : i32 to index
            %swap3A_230 = tpu.vector_load %arg5[%swap3A_228, %swap3A_229] {strides = array<i32>} : memref<7x1104xf32, #tpu.memory_space<vmem>>, vector<16xf32>,
            tpu.vector_store %arg5[%swap3A_228, %swap3A_229], %select_n3A_227 {strides = array<i32>} : memref<7x1104xf32, #tpu.memory_space<vmem>>, vector<16xf32>,
            %add3A_231 = vector.broadcast %mul3A_175 : i32 to vector<16xi32>
            %add3A_232 = arith.addi %add3A_231, %iota3A : vector<16xi32>
            %gt3A_233 = arith.cmpf ogt, %select_n3A_227, %while3A_168 : vector<16xf32>
            %select_n3A_234 = arith.select %gt3A_233, %add3A_232, %while3A_169 : vector<16xi1>, vector<16xi32>
            %select_n3A_235 = arith.select %gt3A_233, %select_n3A_227, %while3A_168 : vector<16xi1>, vector<16xf32>
            scf.yield %select_n3A_235, %select_n3A_234 : vector<16xf32>, vector<16xi32>
          }
          %reduce_max3A_149 = arith.constant true
          %reduce_max3A_150 = vector.broadcast %reduce_max3A_149 : i1 to vector<16xi1>
          %reduce_max3A_151 = tpu.scan <max>, %while3A_148#0 masked %reduce_max3A_150 : vector<16xf32>, vector<16xi1> -> vector<16xf32>
          %reduce_max3A_152 = vector.extract %reduce_max3A_151[15] : f32 from vector<16xf32>
          %eq3A_153 = vector.broadcast %reduce_max3A_152 : f32 to vector<16xf32>
          %eq3A_154 = arith.cmpf oeq, %while3A_148#0, %eq3A_153 : vector<16xf32>
          %broadcast_in_dim3A_155 = vector.broadcast %scan3A_62 : i32 to vector<16xi32>
          %select_n3A_156 = arith.select %eq3A_154, %while3A_148#1, %broadcast_in_dim3A_155 : vector<16xi1>, vector<16xi32>
          %reduce_min3A_157 = arith.constant true
          %reduce_min3A_158 = vector.broadcast %reduce_min3A_157 : i1 to vector<16xi1>
          %reduce_min3A_159 = arith.constant -2147483648 : i32
          %reduce_min3A_160 = vector.broadcast %reduce_min3A_159 : i32 to vector<16xi32>
          %reduce_min3A_161 = arith.xori %select_n3A_156, %reduce_min3A_160 : vector<16xi32>
          %reduce_min3A_162 = tpu.scan <min>, %reduce_min3A_161 masked %reduce_min3A_158 : vector<16xi32>, vector<16xi1> -> vector<16xi32>
          %reduce_min3A_163 = arith.xori %reduce_min3A_162, %reduce_min3A_160 : vector<16xi32>
          %reduce_min3A_164 = vector.extract %reduce_min3A_163[15] : i32 from vector<16xi32>
          %add3A_165 = arith.constant 1 : i32
          %add3A_166 = arith.addi %scan3A_71, %add3A_165 : i32
          scf.yield %add3A_166, %reduce_max3A_152, %reduce_min3A_164 : i32, f32, i32
        } else {
          scf.yield %scan3A_71, %scan3A_72, %scan3A_73 : i32, f32, i32
        }
        scf.yield %cond3A_78#0, %cond3A_78#1, %cond3A_78#2 : i32, f32, i32
      }
      %scan3A_69 = arith.constant 100 : i32
      "tpu.region"() ({
        %run_scoped3A = tpu.sem_alloc : memref<!tpu.dma_semaphore, #tpu.memory_space<semaphore_mem>>
        %dma_start3A = arith.constant 0 : i32
        %dma_start3A_70 = tpu.memref_slice %arg3[%add3A, %dma_start3A] : memref<4x640xf32, #tpu.memory_space<hbm>> -> memref<1x640xf32, #tpu.memory_space<hbm>>
        %dma_start3A_71 = tpu.memref_squeeze %dma_start3A_70 : memref<1x640xf32, #tpu.memory_space<hbm>> -> memref<640xf32, #tpu.memory_space<hbm>>
        %dma_start3A_72 = arith.constant 0 : i32
        %dma_start3A_73 = tpu.memref_slice %arg3[%add3A, %dma_start3A_72] : memref<4x640xf32, #tpu.memory_space<hbm>> -> memref<1x640xf32, #tpu.memory_space<hbm>>
        %dma_start3A_74 = tpu.memref_squeeze %dma_start3A_73 : memref<1x640xf32, #tpu.memory_space<hbm>> -> memref<640xf32, #tpu.memory_space<hbm>>
        tpu.enqueue_dma source(%arg6 : memref<640xf32, #tpu.memory_space<vmem>>) target(%dma_start3A_74 : memref<640xf32, #tpu.memory_space<hbm>>) target_semaphore(%run_scoped3A : memref<!tpu.dma_semaphore, #tpu.memory_space<semaphore_mem>>)
        %dma_wait3A = arith.constant 0 : i32
        %dma_wait3A_75 = tpu.memref_slice %arg3[%add3A, %dma_wait3A] : memref<4x640xf32, #tpu.memory_space<hbm>> -> memref<1x640xf32, #tpu.memory_space<hbm>>
        %dma_wait3A_76 = tpu.memref_squeeze %dma_wait3A_75 : memref<1x640xf32, #tpu.memory_space<hbm>> -> memref<640xf32, #tpu.memory_space<hbm>>
        %dma_wait3A_77 = arith.constant 0 : i32
        %dma_wait3A_78 = tpu.memref_slice %arg3[%add3A, %dma_wait3A_77] : memref<4x640xf32, #tpu.memory_space<hbm>> -> memref<1x640xf32, #tpu.memory_space<hbm>>
        %dma_wait3A_79 = tpu.memref_squeeze %dma_wait3A_78 : memref<1x640xf32, #tpu.memory_space<hbm>> -> memref<640xf32, #tpu.memory_space<hbm>>
        tpu.wait_dma2 semaphore(%run_scoped3A : memref<!tpu.dma_semaphore, #tpu.memory_space<semaphore_mem>>) src(%arg6 : memref<640xf32, #tpu.memory_space<vmem>>) dst(%dma_wait3A_79 : memref<640xf32, #tpu.memory_space<hbm>>)
        tpu.yield
      }) : () -> ()
    } else {
    }
    return
  }
}

module attributes {stable_mosaic.version = 14 : i64} {
  func.func @_decode_body(%arg0: memref<4x80x32x128xf32, #tpu.memory_space<vmem>>, %arg1: memref<4x80x8x128xf32, #tpu.memory_space<vmem>>, %arg2: memref<4x80x2x128xf32, #tpu.memory_space<vmem>>, %arg3: memref<4x4x32x128xf32, #tpu.memory_space<vmem>>, %arg4: memref<4x4x8x128xf32, #tpu.memory_space<vmem>>, %arg5: memref<4x4x2x128xf32, #tpu.memory_space<vmem>>, %arg6: memref<42x128xf32, #tpu.memory_space<vmem>>, %arg7: memref<42x128xf32, #tpu.memory_space<vmem>>, %arg8: memref<42x128xf32, #tpu.memory_space<vmem>>, %arg9: memref<4x8x42x128xf32, #tpu.memory_space<vmem>>) attributes {dimension_semantics = [], scalar_prefetch = 0 : i64, scratch_operands = 0 : i64, tpu.core_type = #tpu.core_type<tc>} {
    %get3A = arith.constant 0 : index
    %get3A_0 = arith.constant 0 : index
    %get3A_1 = arith.constant 0 : index
    %get3A_2 = arith.constant 0 : index
    %get3A_3 = vector.load %arg0[%get3A, %get3A_0, %get3A_1, %get3A_2] : memref<4x80x32x128xf32, #tpu.memory_space<vmem>>, vector<4x80x32x128xf32>
    %logistic3A = arith.negf %get3A_3 : vector<4x80x32x128xf32>
    %logistic3A_4 = math.exp %logistic3A : vector<4x80x32x128xf32>
    %logistic3A_5 = arith.constant 1.000000e+00 : f32
    %logistic3A_6 = vector.broadcast %logistic3A_5 : f32 to vector<4x80x32x128xf32>
    %logistic3A_7 = arith.addf %logistic3A_6, %logistic3A_4 : vector<4x80x32x128xf32>
    %logistic3A_8 = arith.divf %logistic3A_6, %logistic3A_7 : vector<4x80x32x128xf32>
    %get3A_9 = arith.constant 0 : index
    %get3A_10 = arith.constant 0 : index
    %get3A_11 = arith.constant 0 : index
    %get3A_12 = arith.constant 0 : index
    %get3A_13 = vector.load %arg1[%get3A_9, %get3A_10, %get3A_11, %get3A_12] : memref<4x80x8x128xf32, #tpu.memory_space<vmem>>, vector<4x80x8x128xf32>
    %logistic3A_14 = arith.negf %get3A_13 : vector<4x80x8x128xf32>
    %logistic3A_15 = math.exp %logistic3A_14 : vector<4x80x8x128xf32>
    %logistic3A_16 = arith.constant 1.000000e+00 : f32
    %logistic3A_17 = vector.broadcast %logistic3A_16 : f32 to vector<4x80x8x128xf32>
    %logistic3A_18 = arith.addf %logistic3A_17, %logistic3A_15 : vector<4x80x8x128xf32>
    %logistic3A_19 = arith.divf %logistic3A_17, %logistic3A_18 : vector<4x80x8x128xf32>
    %get3A_20 = arith.constant 0 : index
    %get3A_21 = arith.constant 0 : index
    %get3A_22 = arith.constant 0 : index
    %get3A_23 = arith.constant 0 : index
    %get3A_24 = vector.load %arg2[%get3A_20, %get3A_21, %get3A_22, %get3A_23] : memref<4x80x2x128xf32, #tpu.memory_space<vmem>>, vector<4x80x2x128xf32>
    %logistic3A_25 = arith.negf %get3A_24 : vector<4x80x2x128xf32>
    %logistic3A_26 = math.exp %logistic3A_25 : vector<4x80x2x128xf32>
    %logistic3A_27 = arith.constant 1.000000e+00 : f32
    %logistic3A_28 = vector.broadcast %logistic3A_27 : f32 to vector<4x80x2x128xf32>
    %logistic3A_29 = arith.addf %logistic3A_28, %logistic3A_26 : vector<4x80x2x128xf32>
    %logistic3A_30 = arith.divf %logistic3A_28, %logistic3A_29 : vector<4x80x2x128xf32>
    %concatenate3A = tpu.concatenate %logistic3A_8, %logistic3A_19, %logistic3A_30 in 2 : vector<4x80x32x128xf32>, vector<4x80x8x128xf32>, vector<4x80x2x128xf32> -> vector<4x80x42x128xf32>
    %slice3A = vector.extract_strided_slice %concatenate3A {offsets = [0, 0, 0, 0], sizes = [4, 1, 42, 128], strides = [1, 1, 1, 1]} : vector<4x80x42x128xf32> to vector<4x1x42x128xf32>
    %squeeze3A = vector.shape_cast %slice3A : vector<4x1x42x128xf32> to vector<4x42x128xf32>
    %broadcast_in_dim3A = arith.constant 0.000000e+00 : f32
    %broadcast_in_dim3A_31 = vector.broadcast %broadcast_in_dim3A : f32 to vector<4x42x128xf32>
    %slice3A_32 = vector.extract_strided_slice %concatenate3A {offsets = [0, 1, 0, 0], sizes = [4, 1, 42, 128], strides = [1, 1, 1, 1]} : vector<4x80x42x128xf32> to vector<4x1x42x128xf32>
    %squeeze3A_33 = vector.shape_cast %slice3A_32 : vector<4x1x42x128xf32> to vector<4x42x128xf32>
    %gt3A = arith.cmpf ogt, %squeeze3A_33, %squeeze3A : vector<4x42x128xf32>
    %select_n3A = arith.select %gt3A, %squeeze3A_33, %squeeze3A : vector<4x42x128xi1>, vector<4x42x128xf32>
    %jit3A = arith.constant 1.000000e+00 : f32
    %broadcast_in_dim3A_34 = vector.broadcast %jit3A : f32 to vector<4x42x128xf32>
    %select_n3A_35 = arith.select %gt3A, %broadcast_in_dim3A_34, %broadcast_in_dim3A_31 : vector<4x42x128xi1>, vector<4x42x128xf32>
    %slice3A_36 = vector.extract_strided_slice %concatenate3A {offsets = [0, 2, 0, 0], sizes = [4, 1, 42, 128], strides = [1, 1, 1, 1]} : vector<4x80x42x128xf32> to vector<4x1x42x128xf32>
    %squeeze3A_37 = vector.shape_cast %slice3A_36 : vector<4x1x42x128xf32> to vector<4x42x128xf32>
    %gt3A_38 = arith.cmpf ogt, %squeeze3A_37, %select_n3A : vector<4x42x128xf32>
    %select_n3A_39 = arith.select %gt3A_38, %squeeze3A_37, %select_n3A : vector<4x42x128xi1>, vector<4x42x128xf32>
    %jit3A_40 = arith.constant 2.000000e+00 : f32
    %broadcast_in_dim3A_41 = vector.broadcast %jit3A_40 : f32 to vector<4x42x128xf32>
    %select_n3A_42 = arith.select %gt3A_38, %broadcast_in_dim3A_41, %select_n3A_35 : vector<4x42x128xi1>, vector<4x42x128xf32>
    %slice3A_43 = vector.extract_strided_slice %concatenate3A {offsets = [0, 3, 0, 0], sizes = [4, 1, 42, 128], strides = [1, 1, 1, 1]} : vector<4x80x42x128xf32> to vector<4x1x42x128xf32>
    %squeeze3A_44 = vector.shape_cast %slice3A_43 : vector<4x1x42x128xf32> to vector<4x42x128xf32>
    %gt3A_45 = arith.cmpf ogt, %squeeze3A_44, %select_n3A_39 : vector<4x42x128xf32>
    %select_n3A_46 = arith.select %gt3A_45, %squeeze3A_44, %select_n3A_39 : vector<4x42x128xi1>, vector<4x42x128xf32>
    %jit3A_47 = arith.constant 3.000000e+00 : f32
    %broadcast_in_dim3A_48 = vector.broadcast %jit3A_47 : f32 to vector<4x42x128xf32>
    %select_n3A_49 = arith.select %gt3A_45, %broadcast_in_dim3A_48, %select_n3A_42 : vector<4x42x128xi1>, vector<4x42x128xf32>
    %slice3A_50 = vector.extract_strided_slice %concatenate3A {offsets = [0, 4, 0, 0], sizes = [4, 1, 42, 128], strides = [1, 1, 1, 1]} : vector<4x80x42x128xf32> to vector<4x1x42x128xf32>
    %squeeze3A_51 = vector.shape_cast %slice3A_50 : vector<4x1x42x128xf32> to vector<4x42x128xf32>
    %gt3A_52 = arith.cmpf ogt, %squeeze3A_51, %select_n3A_46 : vector<4x42x128xf32>
    %select_n3A_53 = arith.select %gt3A_52, %squeeze3A_51, %select_n3A_46 : vector<4x42x128xi1>, vector<4x42x128xf32>
    %jit3A_54 = arith.constant 4.000000e+00 : f32
    %broadcast_in_dim3A_55 = vector.broadcast %jit3A_54 : f32 to vector<4x42x128xf32>
    %select_n3A_56 = arith.select %gt3A_52, %broadcast_in_dim3A_55, %select_n3A_49 : vector<4x42x128xi1>, vector<4x42x128xf32>
    %slice3A_57 = vector.extract_strided_slice %concatenate3A {offsets = [0, 5, 0, 0], sizes = [4, 1, 42, 128], strides = [1, 1, 1, 1]} : vector<4x80x42x128xf32> to vector<4x1x42x128xf32>
    %squeeze3A_58 = vector.shape_cast %slice3A_57 : vector<4x1x42x128xf32> to vector<4x42x128xf32>
    %gt3A_59 = arith.cmpf ogt, %squeeze3A_58, %select_n3A_53 : vector<4x42x128xf32>
    %select_n3A_60 = arith.select %gt3A_59, %squeeze3A_58, %select_n3A_53 : vector<4x42x128xi1>, vector<4x42x128xf32>
    %jit3A_61 = arith.constant 5.000000e+00 : f32
    %broadcast_in_dim3A_62 = vector.broadcast %jit3A_61 : f32 to vector<4x42x128xf32>
    %select_n3A_63 = arith.select %gt3A_59, %broadcast_in_dim3A_62, %select_n3A_56 : vector<4x42x128xi1>, vector<4x42x128xf32>
    %slice3A_64 = vector.extract_strided_slice %concatenate3A {offsets = [0, 6, 0, 0], sizes = [4, 1, 42, 128], strides = [1, 1, 1, 1]} : vector<4x80x42x128xf32> to vector<4x1x42x128xf32>
    %squeeze3A_65 = vector.shape_cast %slice3A_64 : vector<4x1x42x128xf32> to vector<4x42x128xf32>
    %gt3A_66 = arith.cmpf ogt, %squeeze3A_65, %select_n3A_60 : vector<4x42x128xf32>
    %select_n3A_67 = arith.select %gt3A_66, %squeeze3A_65, %select_n3A_60 : vector<4x42x128xi1>, vector<4x42x128xf32>
    %jit3A_68 = arith.constant 6.000000e+00 : f32
    %broadcast_in_dim3A_69 = vector.broadcast %jit3A_68 : f32 to vector<4x42x128xf32>
    %select_n3A_70 = arith.select %gt3A_66, %broadcast_in_dim3A_69, %select_n3A_63 : vector<4x42x128xi1>, vector<4x42x128xf32>
    %slice3A_71 = vector.extract_strided_slice %concatenate3A {offsets = [0, 7, 0, 0], sizes = [4, 1, 42, 128], strides = [1, 1, 1, 1]} : vector<4x80x42x128xf32> to vector<4x1x42x128xf32>
    %squeeze3A_72 = vector.shape_cast %slice3A_71 : vector<4x1x42x128xf32> to vector<4x42x128xf32>
    %gt3A_73 = arith.cmpf ogt, %squeeze3A_72, %select_n3A_67 : vector<4x42x128xf32>
    %select_n3A_74 = arith.select %gt3A_73, %squeeze3A_72, %select_n3A_67 : vector<4x42x128xi1>, vector<4x42x128xf32>
    %jit3A_75 = arith.constant 7.000000e+00 : f32
    %broadcast_in_dim3A_76 = vector.broadcast %jit3A_75 : f32 to vector<4x42x128xf32>
    %select_n3A_77 = arith.select %gt3A_73, %broadcast_in_dim3A_76, %select_n3A_70 : vector<4x42x128xi1>, vector<4x42x128xf32>
    %slice3A_78 = vector.extract_strided_slice %concatenate3A {offsets = [0, 8, 0, 0], sizes = [4, 1, 42, 128], strides = [1, 1, 1, 1]} : vector<4x80x42x128xf32> to vector<4x1x42x128xf32>
    %squeeze3A_79 = vector.shape_cast %slice3A_78 : vector<4x1x42x128xf32> to vector<4x42x128xf32>
    %gt3A_80 = arith.cmpf ogt, %squeeze3A_79, %select_n3A_74 : vector<4x42x128xf32>
    %select_n3A_81 = arith.select %gt3A_80, %squeeze3A_79, %select_n3A_74 : vector<4x42x128xi1>, vector<4x42x128xf32>
    %jit3A_82 = arith.constant 8.000000e+00 : f32
    %broadcast_in_dim3A_83 = vector.broadcast %jit3A_82 : f32 to vector<4x42x128xf32>
    %select_n3A_84 = arith.select %gt3A_80, %broadcast_in_dim3A_83, %select_n3A_77 : vector<4x42x128xi1>, vector<4x42x128xf32>
    %slice3A_85 = vector.extract_strided_slice %concatenate3A {offsets = [0, 9, 0, 0], sizes = [4, 1, 42, 128], strides = [1, 1, 1, 1]} : vector<4x80x42x128xf32> to vector<4x1x42x128xf32>
    %squeeze3A_86 = vector.shape_cast %slice3A_85 : vector<4x1x42x128xf32> to vector<4x42x128xf32>
    %gt3A_87 = arith.cmpf ogt, %squeeze3A_86, %select_n3A_81 : vector<4x42x128xf32>
    %select_n3A_88 = arith.select %gt3A_87, %squeeze3A_86, %select_n3A_81 : vector<4x42x128xi1>, vector<4x42x128xf32>
    %jit3A_89 = arith.constant 9.000000e+00 : f32
    %broadcast_in_dim3A_90 = vector.broadcast %jit3A_89 : f32 to vector<4x42x128xf32>
    %select_n3A_91 = arith.select %gt3A_87, %broadcast_in_dim3A_90, %select_n3A_84 : vector<4x42x128xi1>, vector<4x42x128xf32>
    %slice3A_92 = vector.extract_strided_slice %concatenate3A {offsets = [0, 10, 0, 0], sizes = [4, 1, 42, 128], strides = [1, 1, 1, 1]} : vector<4x80x42x128xf32> to vector<4x1x42x128xf32>
    %squeeze3A_93 = vector.shape_cast %slice3A_92 : vector<4x1x42x128xf32> to vector<4x42x128xf32>
    %gt3A_94 = arith.cmpf ogt, %squeeze3A_93, %select_n3A_88 : vector<4x42x128xf32>
    %select_n3A_95 = arith.select %gt3A_94, %squeeze3A_93, %select_n3A_88 : vector<4x42x128xi1>, vector<4x42x128xf32>
    %jit3A_96 = arith.constant 1.000000e+01 : f32
    %broadcast_in_dim3A_97 = vector.broadcast %jit3A_96 : f32 to vector<4x42x128xf32>
    %select_n3A_98 = arith.select %gt3A_94, %broadcast_in_dim3A_97, %select_n3A_91 : vector<4x42x128xi1>, vector<4x42x128xf32>
    %slice3A_99 = vector.extract_strided_slice %concatenate3A {offsets = [0, 11, 0, 0], sizes = [4, 1, 42, 128], strides = [1, 1, 1, 1]} : vector<4x80x42x128xf32> to vector<4x1x42x128xf32>
    %squeeze3A_100 = vector.shape_cast %slice3A_99 : vector<4x1x42x128xf32> to vector<4x42x128xf32>
    %gt3A_101 = arith.cmpf ogt, %squeeze3A_100, %select_n3A_95 : vector<4x42x128xf32>
    %select_n3A_102 = arith.select %gt3A_101, %squeeze3A_100, %select_n3A_95 : vector<4x42x128xi1>, vector<4x42x128xf32>
    %jit3A_103 = arith.constant 1.100000e+01 : f32
    %broadcast_in_dim3A_104 = vector.broadcast %jit3A_103 : f32 to vector<4x42x128xf32>
    %select_n3A_105 = arith.select %gt3A_101, %broadcast_in_dim3A_104, %select_n3A_98 : vector<4x42x128xi1>, vector<4x42x128xf32>
    %slice3A_106 = vector.extract_strided_slice %concatenate3A {offsets = [0, 12, 0, 0], sizes = [4, 1, 42, 128], strides = [1, 1, 1, 1]} : vector<4x80x42x128xf32> to vector<4x1x42x128xf32>
    %squeeze3A_107 = vector.shape_cast %slice3A_106 : vector<4x1x42x128xf32> to vector<4x42x128xf32>
    %gt3A_108 = arith.cmpf ogt, %squeeze3A_107, %select_n3A_102 : vector<4x42x128xf32>
    %select_n3A_109 = arith.select %gt3A_108, %squeeze3A_107, %select_n3A_102 : vector<4x42x128xi1>, vector<4x42x128xf32>
    %jit3A_110 = arith.constant 1.200000e+01 : f32
    %broadcast_in_dim3A_111 = vector.broadcast %jit3A_110 : f32 to vector<4x42x128xf32>
    %select_n3A_112 = arith.select %gt3A_108, %broadcast_in_dim3A_111, %select_n3A_105 : vector<4x42x128xi1>, vector<4x42x128xf32>
    %slice3A_113 = vector.extract_strided_slice %concatenate3A {offsets = [0, 13, 0, 0], sizes = [4, 1, 42, 128], strides = [1, 1, 1, 1]} : vector<4x80x42x128xf32> to vector<4x1x42x128xf32>
    %squeeze3A_114 = vector.shape_cast %slice3A_113 : vector<4x1x42x128xf32> to vector<4x42x128xf32>
    %gt3A_115 = arith.cmpf ogt, %squeeze3A_114, %select_n3A_109 : vector<4x42x128xf32>
    %select_n3A_116 = arith.select %gt3A_115, %squeeze3A_114, %select_n3A_109 : vector<4x42x128xi1>, vector<4x42x128xf32>
    %jit3A_117 = arith.constant 1.300000e+01 : f32
    %broadcast_in_dim3A_118 = vector.broadcast %jit3A_117 : f32 to vector<4x42x128xf32>
    %select_n3A_119 = arith.select %gt3A_115, %broadcast_in_dim3A_118, %select_n3A_112 : vector<4x42x128xi1>, vector<4x42x128xf32>
    %slice3A_120 = vector.extract_strided_slice %concatenate3A {offsets = [0, 14, 0, 0], sizes = [4, 1, 42, 128], strides = [1, 1, 1, 1]} : vector<4x80x42x128xf32> to vector<4x1x42x128xf32>
    %squeeze3A_121 = vector.shape_cast %slice3A_120 : vector<4x1x42x128xf32> to vector<4x42x128xf32>
    %gt3A_122 = arith.cmpf ogt, %squeeze3A_121, %select_n3A_116 : vector<4x42x128xf32>
    %select_n3A_123 = arith.select %gt3A_122, %squeeze3A_121, %select_n3A_116 : vector<4x42x128xi1>, vector<4x42x128xf32>
    %jit3A_124 = arith.constant 1.400000e+01 : f32
    %broadcast_in_dim3A_125 = vector.broadcast %jit3A_124 : f32 to vector<4x42x128xf32>
    %select_n3A_126 = arith.select %gt3A_122, %broadcast_in_dim3A_125, %select_n3A_119 : vector<4x42x128xi1>, vector<4x42x128xf32>
    %slice3A_127 = vector.extract_strided_slice %concatenate3A {offsets = [0, 15, 0, 0], sizes = [4, 1, 42, 128], strides = [1, 1, 1, 1]} : vector<4x80x42x128xf32> to vector<4x1x42x128xf32>
    %squeeze3A_128 = vector.shape_cast %slice3A_127 : vector<4x1x42x128xf32> to vector<4x42x128xf32>
    %gt3A_129 = arith.cmpf ogt, %squeeze3A_128, %select_n3A_123 : vector<4x42x128xf32>
    %select_n3A_130 = arith.select %gt3A_129, %squeeze3A_128, %select_n3A_123 : vector<4x42x128xi1>, vector<4x42x128xf32>
    %jit3A_131 = arith.constant 1.500000e+01 : f32
    %broadcast_in_dim3A_132 = vector.broadcast %jit3A_131 : f32 to vector<4x42x128xf32>
    %select_n3A_133 = arith.select %gt3A_129, %broadcast_in_dim3A_132, %select_n3A_126 : vector<4x42x128xi1>, vector<4x42x128xf32>
    %slice3A_134 = vector.extract_strided_slice %concatenate3A {offsets = [0, 16, 0, 0], sizes = [4, 1, 42, 128], strides = [1, 1, 1, 1]} : vector<4x80x42x128xf32> to vector<4x1x42x128xf32>
    %squeeze3A_135 = vector.shape_cast %slice3A_134 : vector<4x1x42x128xf32> to vector<4x42x128xf32>
    %gt3A_136 = arith.cmpf ogt, %squeeze3A_135, %select_n3A_130 : vector<4x42x128xf32>
    %select_n3A_137 = arith.select %gt3A_136, %squeeze3A_135, %select_n3A_130 : vector<4x42x128xi1>, vector<4x42x128xf32>
    %jit3A_138 = arith.constant 1.600000e+01 : f32
    %broadcast_in_dim3A_139 = vector.broadcast %jit3A_138 : f32 to vector<4x42x128xf32>
    %select_n3A_140 = arith.select %gt3A_136, %broadcast_in_dim3A_139, %select_n3A_133 : vector<4x42x128xi1>, vector<4x42x128xf32>
    %slice3A_141 = vector.extract_strided_slice %concatenate3A {offsets = [0, 17, 0, 0], sizes = [4, 1, 42, 128], strides = [1, 1, 1, 1]} : vector<4x80x42x128xf32> to vector<4x1x42x128xf32>
    %squeeze3A_142 = vector.shape_cast %slice3A_141 : vector<4x1x42x128xf32> to vector<4x42x128xf32>
    %gt3A_143 = arith.cmpf ogt, %squeeze3A_142, %select_n3A_137 : vector<4x42x128xf32>
    %select_n3A_144 = arith.select %gt3A_143, %squeeze3A_142, %select_n3A_137 : vector<4x42x128xi1>, vector<4x42x128xf32>
    %jit3A_145 = arith.constant 1.700000e+01 : f32
    %broadcast_in_dim3A_146 = vector.broadcast %jit3A_145 : f32 to vector<4x42x128xf32>
    %select_n3A_147 = arith.select %gt3A_143, %broadcast_in_dim3A_146, %select_n3A_140 : vector<4x42x128xi1>, vector<4x42x128xf32>
    %slice3A_148 = vector.extract_strided_slice %concatenate3A {offsets = [0, 18, 0, 0], sizes = [4, 1, 42, 128], strides = [1, 1, 1, 1]} : vector<4x80x42x128xf32> to vector<4x1x42x128xf32>
    %squeeze3A_149 = vector.shape_cast %slice3A_148 : vector<4x1x42x128xf32> to vector<4x42x128xf32>
    %gt3A_150 = arith.cmpf ogt, %squeeze3A_149, %select_n3A_144 : vector<4x42x128xf32>
    %select_n3A_151 = arith.select %gt3A_150, %squeeze3A_149, %select_n3A_144 : vector<4x42x128xi1>, vector<4x42x128xf32>
    %jit3A_152 = arith.constant 1.800000e+01 : f32
    %broadcast_in_dim3A_153 = vector.broadcast %jit3A_152 : f32 to vector<4x42x128xf32>
    %select_n3A_154 = arith.select %gt3A_150, %broadcast_in_dim3A_153, %select_n3A_147 : vector<4x42x128xi1>, vector<4x42x128xf32>
    %slice3A_155 = vector.extract_strided_slice %concatenate3A {offsets = [0, 19, 0, 0], sizes = [4, 1, 42, 128], strides = [1, 1, 1, 1]} : vector<4x80x42x128xf32> to vector<4x1x42x128xf32>
    %squeeze3A_156 = vector.shape_cast %slice3A_155 : vector<4x1x42x128xf32> to vector<4x42x128xf32>
    %gt3A_157 = arith.cmpf ogt, %squeeze3A_156, %select_n3A_151 : vector<4x42x128xf32>
    %select_n3A_158 = arith.select %gt3A_157, %squeeze3A_156, %select_n3A_151 : vector<4x42x128xi1>, vector<4x42x128xf32>
    %jit3A_159 = arith.constant 1.900000e+01 : f32
    %broadcast_in_dim3A_160 = vector.broadcast %jit3A_159 : f32 to vector<4x42x128xf32>
    %select_n3A_161 = arith.select %gt3A_157, %broadcast_in_dim3A_160, %select_n3A_154 : vector<4x42x128xi1>, vector<4x42x128xf32>
    %slice3A_162 = vector.extract_strided_slice %concatenate3A {offsets = [0, 20, 0, 0], sizes = [4, 1, 42, 128], strides = [1, 1, 1, 1]} : vector<4x80x42x128xf32> to vector<4x1x42x128xf32>
    %squeeze3A_163 = vector.shape_cast %slice3A_162 : vector<4x1x42x128xf32> to vector<4x42x128xf32>
    %gt3A_164 = arith.cmpf ogt, %squeeze3A_163, %select_n3A_158 : vector<4x42x128xf32>
    %select_n3A_165 = arith.select %gt3A_164, %squeeze3A_163, %select_n3A_158 : vector<4x42x128xi1>, vector<4x42x128xf32>
    %jit3A_166 = arith.constant 2.000000e+01 : f32
    %broadcast_in_dim3A_167 = vector.broadcast %jit3A_166 : f32 to vector<4x42x128xf32>
    %select_n3A_168 = arith.select %gt3A_164, %broadcast_in_dim3A_167, %select_n3A_161 : vector<4x42x128xi1>, vector<4x42x128xf32>
    %slice3A_169 = vector.extract_strided_slice %concatenate3A {offsets = [0, 21, 0, 0], sizes = [4, 1, 42, 128], strides = [1, 1, 1, 1]} : vector<4x80x42x128xf32> to vector<4x1x42x128xf32>
    %squeeze3A_170 = vector.shape_cast %slice3A_169 : vector<4x1x42x128xf32> to vector<4x42x128xf32>
    %gt3A_171 = arith.cmpf ogt, %squeeze3A_170, %select_n3A_165 : vector<4x42x128xf32>
    %select_n3A_172 = arith.select %gt3A_171, %squeeze3A_170, %select_n3A_165 : vector<4x42x128xi1>, vector<4x42x128xf32>
    %jit3A_173 = arith.constant 2.100000e+01 : f32
    %broadcast_in_dim3A_174 = vector.broadcast %jit3A_173 : f32 to vector<4x42x128xf32>
    %select_n3A_175 = arith.select %gt3A_171, %broadcast_in_dim3A_174, %select_n3A_168 : vector<4x42x128xi1>, vector<4x42x128xf32>
    %slice3A_176 = vector.extract_strided_slice %concatenate3A {offsets = [0, 22, 0, 0], sizes = [4, 1, 42, 128], strides = [1, 1, 1, 1]} : vector<4x80x42x128xf32> to vector<4x1x42x128xf32>
    %squeeze3A_177 = vector.shape_cast %slice3A_176 : vector<4x1x42x128xf32> to vector<4x42x128xf32>
    %gt3A_178 = arith.cmpf ogt, %squeeze3A_177, %select_n3A_172 : vector<4x42x128xf32>
    %select_n3A_179 = arith.select %gt3A_178, %squeeze3A_177, %select_n3A_172 : vector<4x42x128xi1>, vector<4x42x128xf32>
    %jit3A_180 = arith.constant 2.200000e+01 : f32
    %broadcast_in_dim3A_181 = vector.broadcast %jit3A_180 : f32 to vector<4x42x128xf32>
    %select_n3A_182 = arith.select %gt3A_178, %broadcast_in_dim3A_181, %select_n3A_175 : vector<4x42x128xi1>, vector<4x42x128xf32>
    %slice3A_183 = vector.extract_strided_slice %concatenate3A {offsets = [0, 23, 0, 0], sizes = [4, 1, 42, 128], strides = [1, 1, 1, 1]} : vector<4x80x42x128xf32> to vector<4x1x42x128xf32>
    %squeeze3A_184 = vector.shape_cast %slice3A_183 : vector<4x1x42x128xf32> to vector<4x42x128xf32>
    %gt3A_185 = arith.cmpf ogt, %squeeze3A_184, %select_n3A_179 : vector<4x42x128xf32>
    %select_n3A_186 = arith.select %gt3A_185, %squeeze3A_184, %select_n3A_179 : vector<4x42x128xi1>, vector<4x42x128xf32>
    %jit3A_187 = arith.constant 2.300000e+01 : f32
    %broadcast_in_dim3A_188 = vector.broadcast %jit3A_187 : f32 to vector<4x42x128xf32>
    %select_n3A_189 = arith.select %gt3A_185, %broadcast_in_dim3A_188, %select_n3A_182 : vector<4x42x128xi1>, vector<4x42x128xf32>
    %slice3A_190 = vector.extract_strided_slice %concatenate3A {offsets = [0, 24, 0, 0], sizes = [4, 1, 42, 128], strides = [1, 1, 1, 1]} : vector<4x80x42x128xf32> to vector<4x1x42x128xf32>
    %squeeze3A_191 = vector.shape_cast %slice3A_190 : vector<4x1x42x128xf32> to vector<4x42x128xf32>
    %gt3A_192 = arith.cmpf ogt, %squeeze3A_191, %select_n3A_186 : vector<4x42x128xf32>
    %select_n3A_193 = arith.select %gt3A_192, %squeeze3A_191, %select_n3A_186 : vector<4x42x128xi1>, vector<4x42x128xf32>
    %jit3A_194 = arith.constant 2.400000e+01 : f32
    %broadcast_in_dim3A_195 = vector.broadcast %jit3A_194 : f32 to vector<4x42x128xf32>
    %select_n3A_196 = arith.select %gt3A_192, %broadcast_in_dim3A_195, %select_n3A_189 : vector<4x42x128xi1>, vector<4x42x128xf32>
    %slice3A_197 = vector.extract_strided_slice %concatenate3A {offsets = [0, 25, 0, 0], sizes = [4, 1, 42, 128], strides = [1, 1, 1, 1]} : vector<4x80x42x128xf32> to vector<4x1x42x128xf32>
    %squeeze3A_198 = vector.shape_cast %slice3A_197 : vector<4x1x42x128xf32> to vector<4x42x128xf32>
    %gt3A_199 = arith.cmpf ogt, %squeeze3A_198, %select_n3A_193 : vector<4x42x128xf32>
    %select_n3A_200 = arith.select %gt3A_199, %squeeze3A_198, %select_n3A_193 : vector<4x42x128xi1>, vector<4x42x128xf32>
    %jit3A_201 = arith.constant 2.500000e+01 : f32
    %broadcast_in_dim3A_202 = vector.broadcast %jit3A_201 : f32 to vector<4x42x128xf32>
    %select_n3A_203 = arith.select %gt3A_199, %broadcast_in_dim3A_202, %select_n3A_196 : vector<4x42x128xi1>, vector<4x42x128xf32>
    %slice3A_204 = vector.extract_strided_slice %concatenate3A {offsets = [0, 26, 0, 0], sizes = [4, 1, 42, 128], strides = [1, 1, 1, 1]} : vector<4x80x42x128xf32> to vector<4x1x42x128xf32>
    %squeeze3A_205 = vector.shape_cast %slice3A_204 : vector<4x1x42x128xf32> to vector<4x42x128xf32>
    %gt3A_206 = arith.cmpf ogt, %squeeze3A_205, %select_n3A_200 : vector<4x42x128xf32>
    %select_n3A_207 = arith.select %gt3A_206, %squeeze3A_205, %select_n3A_200 : vector<4x42x128xi1>, vector<4x42x128xf32>
    %jit3A_208 = arith.constant 2.600000e+01 : f32
    %broadcast_in_dim3A_209 = vector.broadcast %jit3A_208 : f32 to vector<4x42x128xf32>
    %select_n3A_210 = arith.select %gt3A_206, %broadcast_in_dim3A_209, %select_n3A_203 : vector<4x42x128xi1>, vector<4x42x128xf32>
    %slice3A_211 = vector.extract_strided_slice %concatenate3A {offsets = [0, 27, 0, 0], sizes = [4, 1, 42, 128], strides = [1, 1, 1, 1]} : vector<4x80x42x128xf32> to vector<4x1x42x128xf32>
    %squeeze3A_212 = vector.shape_cast %slice3A_211 : vector<4x1x42x128xf32> to vector<4x42x128xf32>
    %gt3A_213 = arith.cmpf ogt, %squeeze3A_212, %select_n3A_207 : vector<4x42x128xf32>
    %select_n3A_214 = arith.select %gt3A_213, %squeeze3A_212, %select_n3A_207 : vector<4x42x128xi1>, vector<4x42x128xf32>
    %jit3A_215 = arith.constant 2.700000e+01 : f32
    %broadcast_in_dim3A_216 = vector.broadcast %jit3A_215 : f32 to vector<4x42x128xf32>
    %select_n3A_217 = arith.select %gt3A_213, %broadcast_in_dim3A_216, %select_n3A_210 : vector<4x42x128xi1>, vector<4x42x128xf32>
    %slice3A_218 = vector.extract_strided_slice %concatenate3A {offsets = [0, 28, 0, 0], sizes = [4, 1, 42, 128], strides = [1, 1, 1, 1]} : vector<4x80x42x128xf32> to vector<4x1x42x128xf32>
    %squeeze3A_219 = vector.shape_cast %slice3A_218 : vector<4x1x42x128xf32> to vector<4x42x128xf32>
    %gt3A_220 = arith.cmpf ogt, %squeeze3A_219, %select_n3A_214 : vector<4x42x128xf32>
    %select_n3A_221 = arith.select %gt3A_220, %squeeze3A_219, %select_n3A_214 : vector<4x42x128xi1>, vector<4x42x128xf32>
    %jit3A_222 = arith.constant 2.800000e+01 : f32
    %broadcast_in_dim3A_223 = vector.broadcast %jit3A_222 : f32 to vector<4x42x128xf32>
    %select_n3A_224 = arith.select %gt3A_220, %broadcast_in_dim3A_223, %select_n3A_217 : vector<4x42x128xi1>, vector<4x42x128xf32>
    %slice3A_225 = vector.extract_strided_slice %concatenate3A {offsets = [0, 29, 0, 0], sizes = [4, 1, 42, 128], strides = [1, 1, 1, 1]} : vector<4x80x42x128xf32> to vector<4x1x42x128xf32>
    %squeeze3A_226 = vector.shape_cast %slice3A_225 : vector<4x1x42x128xf32> to vector<4x42x128xf32>
    %gt3A_227 = arith.cmpf ogt, %squeeze3A_226, %select_n3A_221 : vector<4x42x128xf32>
    %select_n3A_228 = arith.select %gt3A_227, %squeeze3A_226, %select_n3A_221 : vector<4x42x128xi1>, vector<4x42x128xf32>
    %jit3A_229 = arith.constant 2.900000e+01 : f32
    %broadcast_in_dim3A_230 = vector.broadcast %jit3A_229 : f32 to vector<4x42x128xf32>
    %select_n3A_231 = arith.select %gt3A_227, %broadcast_in_dim3A_230, %select_n3A_224 : vector<4x42x128xi1>, vector<4x42x128xf32>
    %slice3A_232 = vector.extract_strided_slice %concatenate3A {offsets = [0, 30, 0, 0], sizes = [4, 1, 42, 128], strides = [1, 1, 1, 1]} : vector<4x80x42x128xf32> to vector<4x1x42x128xf32>
    %squeeze3A_233 = vector.shape_cast %slice3A_232 : vector<4x1x42x128xf32> to vector<4x42x128xf32>
    %gt3A_234 = arith.cmpf ogt, %squeeze3A_233, %select_n3A_228 : vector<4x42x128xf32>
    %select_n3A_235 = arith.select %gt3A_234, %squeeze3A_233, %select_n3A_228 : vector<4x42x128xi1>, vector<4x42x128xf32>
    %jit3A_236 = arith.constant 3.000000e+01 : f32
    %broadcast_in_dim3A_237 = vector.broadcast %jit3A_236 : f32 to vector<4x42x128xf32>
    %select_n3A_238 = arith.select %gt3A_234, %broadcast_in_dim3A_237, %select_n3A_231 : vector<4x42x128xi1>, vector<4x42x128xf32>
    %slice3A_239 = vector.extract_strided_slice %concatenate3A {offsets = [0, 31, 0, 0], sizes = [4, 1, 42, 128], strides = [1, 1, 1, 1]} : vector<4x80x42x128xf32> to vector<4x1x42x128xf32>
    %squeeze3A_240 = vector.shape_cast %slice3A_239 : vector<4x1x42x128xf32> to vector<4x42x128xf32>
    %gt3A_241 = arith.cmpf ogt, %squeeze3A_240, %select_n3A_235 : vector<4x42x128xf32>
    %select_n3A_242 = arith.select %gt3A_241, %squeeze3A_240, %select_n3A_235 : vector<4x42x128xi1>, vector<4x42x128xf32>
    %jit3A_243 = arith.constant 3.100000e+01 : f32
    %broadcast_in_dim3A_244 = vector.broadcast %jit3A_243 : f32 to vector<4x42x128xf32>
    %select_n3A_245 = arith.select %gt3A_241, %broadcast_in_dim3A_244, %select_n3A_238 : vector<4x42x128xi1>, vector<4x42x128xf32>
    %slice3A_246 = vector.extract_strided_slice %concatenate3A {offsets = [0, 32, 0, 0], sizes = [4, 1, 42, 128], strides = [1, 1, 1, 1]} : vector<4x80x42x128xf32> to vector<4x1x42x128xf32>
    %squeeze3A_247 = vector.shape_cast %slice3A_246 : vector<4x1x42x128xf32> to vector<4x42x128xf32>
    %gt3A_248 = arith.cmpf ogt, %squeeze3A_247, %select_n3A_242 : vector<4x42x128xf32>
    %select_n3A_249 = arith.select %gt3A_248, %squeeze3A_247, %select_n3A_242 : vector<4x42x128xi1>, vector<4x42x128xf32>
    %jit3A_250 = arith.constant 3.200000e+01 : f32
    %broadcast_in_dim3A_251 = vector.broadcast %jit3A_250 : f32 to vector<4x42x128xf32>
    %select_n3A_252 = arith.select %gt3A_248, %broadcast_in_dim3A_251, %select_n3A_245 : vector<4x42x128xi1>, vector<4x42x128xf32>
    %slice3A_253 = vector.extract_strided_slice %concatenate3A {offsets = [0, 33, 0, 0], sizes = [4, 1, 42, 128], strides = [1, 1, 1, 1]} : vector<4x80x42x128xf32> to vector<4x1x42x128xf32>
    %squeeze3A_254 = vector.shape_cast %slice3A_253 : vector<4x1x42x128xf32> to vector<4x42x128xf32>
    %gt3A_255 = arith.cmpf ogt, %squeeze3A_254, %select_n3A_249 : vector<4x42x128xf32>
    %select_n3A_256 = arith.select %gt3A_255, %squeeze3A_254, %select_n3A_249 : vector<4x42x128xi1>, vector<4x42x128xf32>
    %jit3A_257 = arith.constant 3.300000e+01 : f32
    %broadcast_in_dim3A_258 = vector.broadcast %jit3A_257 : f32 to vector<4x42x128xf32>
    %select_n3A_259 = arith.select %gt3A_255, %broadcast_in_dim3A_258, %select_n3A_252 : vector<4x42x128xi1>, vector<4x42x128xf32>
    %slice3A_260 = vector.extract_strided_slice %concatenate3A {offsets = [0, 34, 0, 0], sizes = [4, 1, 42, 128], strides = [1, 1, 1, 1]} : vector<4x80x42x128xf32> to vector<4x1x42x128xf32>
    %squeeze3A_261 = vector.shape_cast %slice3A_260 : vector<4x1x42x128xf32> to vector<4x42x128xf32>
    %gt3A_262 = arith.cmpf ogt, %squeeze3A_261, %select_n3A_256 : vector<4x42x128xf32>
    %select_n3A_263 = arith.select %gt3A_262, %squeeze3A_261, %select_n3A_256 : vector<4x42x128xi1>, vector<4x42x128xf32>
    %jit3A_264 = arith.constant 3.400000e+01 : f32
    %broadcast_in_dim3A_265 = vector.broadcast %jit3A_264 : f32 to vector<4x42x128xf32>
    %select_n3A_266 = arith.select %gt3A_262, %broadcast_in_dim3A_265, %select_n3A_259 : vector<4x42x128xi1>, vector<4x42x128xf32>
    %slice3A_267 = vector.extract_strided_slice %concatenate3A {offsets = [0, 35, 0, 0], sizes = [4, 1, 42, 128], strides = [1, 1, 1, 1]} : vector<4x80x42x128xf32> to vector<4x1x42x128xf32>
    %squeeze3A_268 = vector.shape_cast %slice3A_267 : vector<4x1x42x128xf32> to vector<4x42x128xf32>
    %gt3A_269 = arith.cmpf ogt, %squeeze3A_268, %select_n3A_263 : vector<4x42x128xf32>
    %select_n3A_270 = arith.select %gt3A_269, %squeeze3A_268, %select_n3A_263 : vector<4x42x128xi1>, vector<4x42x128xf32>
    %jit3A_271 = arith.constant 3.500000e+01 : f32
    %broadcast_in_dim3A_272 = vector.broadcast %jit3A_271 : f32 to vector<4x42x128xf32>
    %select_n3A_273 = arith.select %gt3A_269, %broadcast_in_dim3A_272, %select_n3A_266 : vector<4x42x128xi1>, vector<4x42x128xf32>
    %slice3A_274 = vector.extract_strided_slice %concatenate3A {offsets = [0, 36, 0, 0], sizes = [4, 1, 42, 128], strides = [1, 1, 1, 1]} : vector<4x80x42x128xf32> to vector<4x1x42x128xf32>
    %squeeze3A_275 = vector.shape_cast %slice3A_274 : vector<4x1x42x128xf32> to vector<4x42x128xf32>
    %gt3A_276 = arith.cmpf ogt, %squeeze3A_275, %select_n3A_270 : vector<4x42x128xf32>
    %select_n3A_277 = arith.select %gt3A_276, %squeeze3A_275, %select_n3A_270 : vector<4x42x128xi1>, vector<4x42x128xf32>
    %jit3A_278 = arith.constant 3.600000e+01 : f32
    %broadcast_in_dim3A_279 = vector.broadcast %jit3A_278 : f32 to vector<4x42x128xf32>
    %select_n3A_280 = arith.select %gt3A_276, %broadcast_in_dim3A_279, %select_n3A_273 : vector<4x42x128xi1>, vector<4x42x128xf32>
    %slice3A_281 = vector.extract_strided_slice %concatenate3A {offsets = [0, 37, 0, 0], sizes = [4, 1, 42, 128], strides = [1, 1, 1, 1]} : vector<4x80x42x128xf32> to vector<4x1x42x128xf32>
    %squeeze3A_282 = vector.shape_cast %slice3A_281 : vector<4x1x42x128xf32> to vector<4x42x128xf32>
    %gt3A_283 = arith.cmpf ogt, %squeeze3A_282, %select_n3A_277 : vector<4x42x128xf32>
    %select_n3A_284 = arith.select %gt3A_283, %squeeze3A_282, %select_n3A_277 : vector<4x42x128xi1>, vector<4x42x128xf32>
    %jit3A_285 = arith.constant 3.700000e+01 : f32
    %broadcast_in_dim3A_286 = vector.broadcast %jit3A_285 : f32 to vector<4x42x128xf32>
    %select_n3A_287 = arith.select %gt3A_283, %broadcast_in_dim3A_286, %select_n3A_280 : vector<4x42x128xi1>, vector<4x42x128xf32>
    %slice3A_288 = vector.extract_strided_slice %concatenate3A {offsets = [0, 38, 0, 0], sizes = [4, 1, 42, 128], strides = [1, 1, 1, 1]} : vector<4x80x42x128xf32> to vector<4x1x42x128xf32>
    %squeeze3A_289 = vector.shape_cast %slice3A_288 : vector<4x1x42x128xf32> to vector<4x42x128xf32>
    %gt3A_290 = arith.cmpf ogt, %squeeze3A_289, %select_n3A_284 : vector<4x42x128xf32>
    %select_n3A_291 = arith.select %gt3A_290, %squeeze3A_289, %select_n3A_284 : vector<4x42x128xi1>, vector<4x42x128xf32>
    %jit3A_292 = arith.constant 3.800000e+01 : f32
    %broadcast_in_dim3A_293 = vector.broadcast %jit3A_292 : f32 to vector<4x42x128xf32>
    %select_n3A_294 = arith.select %gt3A_290, %broadcast_in_dim3A_293, %select_n3A_287 : vector<4x42x128xi1>, vector<4x42x128xf32>
    %slice3A_295 = vector.extract_strided_slice %concatenate3A {offsets = [0, 39, 0, 0], sizes = [4, 1, 42, 128], strides = [1, 1, 1, 1]} : vector<4x80x42x128xf32> to vector<4x1x42x128xf32>
    %squeeze3A_296 = vector.shape_cast %slice3A_295 : vector<4x1x42x128xf32> to vector<4x42x128xf32>
    %gt3A_297 = arith.cmpf ogt, %squeeze3A_296, %select_n3A_291 : vector<4x42x128xf32>
    %select_n3A_298 = arith.select %gt3A_297, %squeeze3A_296, %select_n3A_291 : vector<4x42x128xi1>, vector<4x42x128xf32>
    %jit3A_299 = arith.constant 3.900000e+01 : f32
    %broadcast_in_dim3A_300 = vector.broadcast %jit3A_299 : f32 to vector<4x42x128xf32>
    %select_n3A_301 = arith.select %gt3A_297, %broadcast_in_dim3A_300, %select_n3A_294 : vector<4x42x128xi1>, vector<4x42x128xf32>
    %slice3A_302 = vector.extract_strided_slice %concatenate3A {offsets = [0, 40, 0, 0], sizes = [4, 1, 42, 128], strides = [1, 1, 1, 1]} : vector<4x80x42x128xf32> to vector<4x1x42x128xf32>
    %squeeze3A_303 = vector.shape_cast %slice3A_302 : vector<4x1x42x128xf32> to vector<4x42x128xf32>
    %gt3A_304 = arith.cmpf ogt, %squeeze3A_303, %select_n3A_298 : vector<4x42x128xf32>
    %select_n3A_305 = arith.select %gt3A_304, %squeeze3A_303, %select_n3A_298 : vector<4x42x128xi1>, vector<4x42x128xf32>
    %jit3A_306 = arith.constant 4.000000e+01 : f32
    %broadcast_in_dim3A_307 = vector.broadcast %jit3A_306 : f32 to vector<4x42x128xf32>
    %select_n3A_308 = arith.select %gt3A_304, %broadcast_in_dim3A_307, %select_n3A_301 : vector<4x42x128xi1>, vector<4x42x128xf32>
    %slice3A_309 = vector.extract_strided_slice %concatenate3A {offsets = [0, 41, 0, 0], sizes = [4, 1, 42, 128], strides = [1, 1, 1, 1]} : vector<4x80x42x128xf32> to vector<4x1x42x128xf32>
    %squeeze3A_310 = vector.shape_cast %slice3A_309 : vector<4x1x42x128xf32> to vector<4x42x128xf32>
    %gt3A_311 = arith.cmpf ogt, %squeeze3A_310, %select_n3A_305 : vector<4x42x128xf32>
    %select_n3A_312 = arith.select %gt3A_311, %squeeze3A_310, %select_n3A_305 : vector<4x42x128xi1>, vector<4x42x128xf32>
    %jit3A_313 = arith.constant 4.100000e+01 : f32
    %broadcast_in_dim3A_314 = vector.broadcast %jit3A_313 : f32 to vector<4x42x128xf32>
    %select_n3A_315 = arith.select %gt3A_311, %broadcast_in_dim3A_314, %select_n3A_308 : vector<4x42x128xi1>, vector<4x42x128xf32>
    %slice3A_316 = vector.extract_strided_slice %concatenate3A {offsets = [0, 42, 0, 0], sizes = [4, 1, 42, 128], strides = [1, 1, 1, 1]} : vector<4x80x42x128xf32> to vector<4x1x42x128xf32>
    %squeeze3A_317 = vector.shape_cast %slice3A_316 : vector<4x1x42x128xf32> to vector<4x42x128xf32>
    %gt3A_318 = arith.cmpf ogt, %squeeze3A_317, %select_n3A_312 : vector<4x42x128xf32>
    %select_n3A_319 = arith.select %gt3A_318, %squeeze3A_317, %select_n3A_312 : vector<4x42x128xi1>, vector<4x42x128xf32>
    %jit3A_320 = arith.constant 4.200000e+01 : f32
    %broadcast_in_dim3A_321 = vector.broadcast %jit3A_320 : f32 to vector<4x42x128xf32>
    %select_n3A_322 = arith.select %gt3A_318, %broadcast_in_dim3A_321, %select_n3A_315 : vector<4x42x128xi1>, vector<4x42x128xf32>
    %slice3A_323 = vector.extract_strided_slice %concatenate3A {offsets = [0, 43, 0, 0], sizes = [4, 1, 42, 128], strides = [1, 1, 1, 1]} : vector<4x80x42x128xf32> to vector<4x1x42x128xf32>
    %squeeze3A_324 = vector.shape_cast %slice3A_323 : vector<4x1x42x128xf32> to vector<4x42x128xf32>
    %gt3A_325 = arith.cmpf ogt, %squeeze3A_324, %select_n3A_319 : vector<4x42x128xf32>
    %select_n3A_326 = arith.select %gt3A_325, %squeeze3A_324, %select_n3A_319 : vector<4x42x128xi1>, vector<4x42x128xf32>
    %jit3A_327 = arith.constant 4.300000e+01 : f32
    %broadcast_in_dim3A_328 = vector.broadcast %jit3A_327 : f32 to vector<4x42x128xf32>
    %select_n3A_329 = arith.select %gt3A_325, %broadcast_in_dim3A_328, %select_n3A_322 : vector<4x42x128xi1>, vector<4x42x128xf32>
    %slice3A_330 = vector.extract_strided_slice %concatenate3A {offsets = [0, 44, 0, 0], sizes = [4, 1, 42, 128], strides = [1, 1, 1, 1]} : vector<4x80x42x128xf32> to vector<4x1x42x128xf32>
    %squeeze3A_331 = vector.shape_cast %slice3A_330 : vector<4x1x42x128xf32> to vector<4x42x128xf32>
    %gt3A_332 = arith.cmpf ogt, %squeeze3A_331, %select_n3A_326 : vector<4x42x128xf32>
    %select_n3A_333 = arith.select %gt3A_332, %squeeze3A_331, %select_n3A_326 : vector<4x42x128xi1>, vector<4x42x128xf32>
    %jit3A_334 = arith.constant 4.400000e+01 : f32
    %broadcast_in_dim3A_335 = vector.broadcast %jit3A_334 : f32 to vector<4x42x128xf32>
    %select_n3A_336 = arith.select %gt3A_332, %broadcast_in_dim3A_335, %select_n3A_329 : vector<4x42x128xi1>, vector<4x42x128xf32>
    %slice3A_337 = vector.extract_strided_slice %concatenate3A {offsets = [0, 45, 0, 0], sizes = [4, 1, 42, 128], strides = [1, 1, 1, 1]} : vector<4x80x42x128xf32> to vector<4x1x42x128xf32>
    %squeeze3A_338 = vector.shape_cast %slice3A_337 : vector<4x1x42x128xf32> to vector<4x42x128xf32>
    %gt3A_339 = arith.cmpf ogt, %squeeze3A_338, %select_n3A_333 : vector<4x42x128xf32>
    %select_n3A_340 = arith.select %gt3A_339, %squeeze3A_338, %select_n3A_333 : vector<4x42x128xi1>, vector<4x42x128xf32>
    %jit3A_341 = arith.constant 4.500000e+01 : f32
    %broadcast_in_dim3A_342 = vector.broadcast %jit3A_341 : f32 to vector<4x42x128xf32>
    %select_n3A_343 = arith.select %gt3A_339, %broadcast_in_dim3A_342, %select_n3A_336 : vector<4x42x128xi1>, vector<4x42x128xf32>
    %slice3A_344 = vector.extract_strided_slice %concatenate3A {offsets = [0, 46, 0, 0], sizes = [4, 1, 42, 128], strides = [1, 1, 1, 1]} : vector<4x80x42x128xf32> to vector<4x1x42x128xf32>
    %squeeze3A_345 = vector.shape_cast %slice3A_344 : vector<4x1x42x128xf32> to vector<4x42x128xf32>
    %gt3A_346 = arith.cmpf ogt, %squeeze3A_345, %select_n3A_340 : vector<4x42x128xf32>
    %select_n3A_347 = arith.select %gt3A_346, %squeeze3A_345, %select_n3A_340 : vector<4x42x128xi1>, vector<4x42x128xf32>
    %jit3A_348 = arith.constant 4.600000e+01 : f32
    %broadcast_in_dim3A_349 = vector.broadcast %jit3A_348 : f32 to vector<4x42x128xf32>
    %select_n3A_350 = arith.select %gt3A_346, %broadcast_in_dim3A_349, %select_n3A_343 : vector<4x42x128xi1>, vector<4x42x128xf32>
    %slice3A_351 = vector.extract_strided_slice %concatenate3A {offsets = [0, 47, 0, 0], sizes = [4, 1, 42, 128], strides = [1, 1, 1, 1]} : vector<4x80x42x128xf32> to vector<4x1x42x128xf32>
    %squeeze3A_352 = vector.shape_cast %slice3A_351 : vector<4x1x42x128xf32> to vector<4x42x128xf32>
    %gt3A_353 = arith.cmpf ogt, %squeeze3A_352, %select_n3A_347 : vector<4x42x128xf32>
    %select_n3A_354 = arith.select %gt3A_353, %squeeze3A_352, %select_n3A_347 : vector<4x42x128xi1>, vector<4x42x128xf32>
    %jit3A_355 = arith.constant 4.700000e+01 : f32
    %broadcast_in_dim3A_356 = vector.broadcast %jit3A_355 : f32 to vector<4x42x128xf32>
    %select_n3A_357 = arith.select %gt3A_353, %broadcast_in_dim3A_356, %select_n3A_350 : vector<4x42x128xi1>, vector<4x42x128xf32>
    %slice3A_358 = vector.extract_strided_slice %concatenate3A {offsets = [0, 48, 0, 0], sizes = [4, 1, 42, 128], strides = [1, 1, 1, 1]} : vector<4x80x42x128xf32> to vector<4x1x42x128xf32>
    %squeeze3A_359 = vector.shape_cast %slice3A_358 : vector<4x1x42x128xf32> to vector<4x42x128xf32>
    %gt3A_360 = arith.cmpf ogt, %squeeze3A_359, %select_n3A_354 : vector<4x42x128xf32>
    %select_n3A_361 = arith.select %gt3A_360, %squeeze3A_359, %select_n3A_354 : vector<4x42x128xi1>, vector<4x42x128xf32>
    %jit3A_362 = arith.constant 4.800000e+01 : f32
    %broadcast_in_dim3A_363 = vector.broadcast %jit3A_362 : f32 to vector<4x42x128xf32>
    %select_n3A_364 = arith.select %gt3A_360, %broadcast_in_dim3A_363, %select_n3A_357 : vector<4x42x128xi1>, vector<4x42x128xf32>
    %slice3A_365 = vector.extract_strided_slice %concatenate3A {offsets = [0, 49, 0, 0], sizes = [4, 1, 42, 128], strides = [1, 1, 1, 1]} : vector<4x80x42x128xf32> to vector<4x1x42x128xf32>
    %squeeze3A_366 = vector.shape_cast %slice3A_365 : vector<4x1x42x128xf32> to vector<4x42x128xf32>
    %gt3A_367 = arith.cmpf ogt, %squeeze3A_366, %select_n3A_361 : vector<4x42x128xf32>
    %select_n3A_368 = arith.select %gt3A_367, %squeeze3A_366, %select_n3A_361 : vector<4x42x128xi1>, vector<4x42x128xf32>
    %jit3A_369 = arith.constant 4.900000e+01 : f32
    %broadcast_in_dim3A_370 = vector.broadcast %jit3A_369 : f32 to vector<4x42x128xf32>
    %select_n3A_371 = arith.select %gt3A_367, %broadcast_in_dim3A_370, %select_n3A_364 : vector<4x42x128xi1>, vector<4x42x128xf32>
    %slice3A_372 = vector.extract_strided_slice %concatenate3A {offsets = [0, 50, 0, 0], sizes = [4, 1, 42, 128], strides = [1, 1, 1, 1]} : vector<4x80x42x128xf32> to vector<4x1x42x128xf32>
    %squeeze3A_373 = vector.shape_cast %slice3A_372 : vector<4x1x42x128xf32> to vector<4x42x128xf32>
    %gt3A_374 = arith.cmpf ogt, %squeeze3A_373, %select_n3A_368 : vector<4x42x128xf32>
    %select_n3A_375 = arith.select %gt3A_374, %squeeze3A_373, %select_n3A_368 : vector<4x42x128xi1>, vector<4x42x128xf32>
    %jit3A_376 = arith.constant 5.000000e+01 : f32
    %broadcast_in_dim3A_377 = vector.broadcast %jit3A_376 : f32 to vector<4x42x128xf32>
    %select_n3A_378 = arith.select %gt3A_374, %broadcast_in_dim3A_377, %select_n3A_371 : vector<4x42x128xi1>, vector<4x42x128xf32>
    %slice3A_379 = vector.extract_strided_slice %concatenate3A {offsets = [0, 51, 0, 0], sizes = [4, 1, 42, 128], strides = [1, 1, 1, 1]} : vector<4x80x42x128xf32> to vector<4x1x42x128xf32>
    %squeeze3A_380 = vector.shape_cast %slice3A_379 : vector<4x1x42x128xf32> to vector<4x42x128xf32>
    %gt3A_381 = arith.cmpf ogt, %squeeze3A_380, %select_n3A_375 : vector<4x42x128xf32>
    %select_n3A_382 = arith.select %gt3A_381, %squeeze3A_380, %select_n3A_375 : vector<4x42x128xi1>, vector<4x42x128xf32>
    %jit3A_383 = arith.constant 5.100000e+01 : f32
    %broadcast_in_dim3A_384 = vector.broadcast %jit3A_383 : f32 to vector<4x42x128xf32>
    %select_n3A_385 = arith.select %gt3A_381, %broadcast_in_dim3A_384, %select_n3A_378 : vector<4x42x128xi1>, vector<4x42x128xf32>
    %slice3A_386 = vector.extract_strided_slice %concatenate3A {offsets = [0, 52, 0, 0], sizes = [4, 1, 42, 128], strides = [1, 1, 1, 1]} : vector<4x80x42x128xf32> to vector<4x1x42x128xf32>
    %squeeze3A_387 = vector.shape_cast %slice3A_386 : vector<4x1x42x128xf32> to vector<4x42x128xf32>
    %gt3A_388 = arith.cmpf ogt, %squeeze3A_387, %select_n3A_382 : vector<4x42x128xf32>
    %select_n3A_389 = arith.select %gt3A_388, %squeeze3A_387, %select_n3A_382 : vector<4x42x128xi1>, vector<4x42x128xf32>
    %jit3A_390 = arith.constant 5.200000e+01 : f32
    %broadcast_in_dim3A_391 = vector.broadcast %jit3A_390 : f32 to vector<4x42x128xf32>
    %select_n3A_392 = arith.select %gt3A_388, %broadcast_in_dim3A_391, %select_n3A_385 : vector<4x42x128xi1>, vector<4x42x128xf32>
    %slice3A_393 = vector.extract_strided_slice %concatenate3A {offsets = [0, 53, 0, 0], sizes = [4, 1, 42, 128], strides = [1, 1, 1, 1]} : vector<4x80x42x128xf32> to vector<4x1x42x128xf32>
    %squeeze3A_394 = vector.shape_cast %slice3A_393 : vector<4x1x42x128xf32> to vector<4x42x128xf32>
    %gt3A_395 = arith.cmpf ogt, %squeeze3A_394, %select_n3A_389 : vector<4x42x128xf32>
    %select_n3A_396 = arith.select %gt3A_395, %squeeze3A_394, %select_n3A_389 : vector<4x42x128xi1>, vector<4x42x128xf32>
    %jit3A_397 = arith.constant 5.300000e+01 : f32
    %broadcast_in_dim3A_398 = vector.broadcast %jit3A_397 : f32 to vector<4x42x128xf32>
    %select_n3A_399 = arith.select %gt3A_395, %broadcast_in_dim3A_398, %select_n3A_392 : vector<4x42x128xi1>, vector<4x42x128xf32>
    %slice3A_400 = vector.extract_strided_slice %concatenate3A {offsets = [0, 54, 0, 0], sizes = [4, 1, 42, 128], strides = [1, 1, 1, 1]} : vector<4x80x42x128xf32> to vector<4x1x42x128xf32>
    %squeeze3A_401 = vector.shape_cast %slice3A_400 : vector<4x1x42x128xf32> to vector<4x42x128xf32>
    %gt3A_402 = arith.cmpf ogt, %squeeze3A_401, %select_n3A_396 : vector<4x42x128xf32>
    %select_n3A_403 = arith.select %gt3A_402, %squeeze3A_401, %select_n3A_396 : vector<4x42x128xi1>, vector<4x42x128xf32>
    %jit3A_404 = arith.constant 5.400000e+01 : f32
    %broadcast_in_dim3A_405 = vector.broadcast %jit3A_404 : f32 to vector<4x42x128xf32>
    %select_n3A_406 = arith.select %gt3A_402, %broadcast_in_dim3A_405, %select_n3A_399 : vector<4x42x128xi1>, vector<4x42x128xf32>
    %slice3A_407 = vector.extract_strided_slice %concatenate3A {offsets = [0, 55, 0, 0], sizes = [4, 1, 42, 128], strides = [1, 1, 1, 1]} : vector<4x80x42x128xf32> to vector<4x1x42x128xf32>
    %squeeze3A_408 = vector.shape_cast %slice3A_407 : vector<4x1x42x128xf32> to vector<4x42x128xf32>
    %gt3A_409 = arith.cmpf ogt, %squeeze3A_408, %select_n3A_403 : vector<4x42x128xf32>
    %select_n3A_410 = arith.select %gt3A_409, %squeeze3A_408, %select_n3A_403 : vector<4x42x128xi1>, vector<4x42x128xf32>
    %jit3A_411 = arith.constant 5.500000e+01 : f32
    %broadcast_in_dim3A_412 = vector.broadcast %jit3A_411 : f32 to vector<4x42x128xf32>
    %select_n3A_413 = arith.select %gt3A_409, %broadcast_in_dim3A_412, %select_n3A_406 : vector<4x42x128xi1>, vector<4x42x128xf32>
    %slice3A_414 = vector.extract_strided_slice %concatenate3A {offsets = [0, 56, 0, 0], sizes = [4, 1, 42, 128], strides = [1, 1, 1, 1]} : vector<4x80x42x128xf32> to vector<4x1x42x128xf32>
    %squeeze3A_415 = vector.shape_cast %slice3A_414 : vector<4x1x42x128xf32> to vector<4x42x128xf32>
    %gt3A_416 = arith.cmpf ogt, %squeeze3A_415, %select_n3A_410 : vector<4x42x128xf32>
    %select_n3A_417 = arith.select %gt3A_416, %squeeze3A_415, %select_n3A_410 : vector<4x42x128xi1>, vector<4x42x128xf32>
    %jit3A_418 = arith.constant 5.600000e+01 : f32
    %broadcast_in_dim3A_419 = vector.broadcast %jit3A_418 : f32 to vector<4x42x128xf32>
    %select_n3A_420 = arith.select %gt3A_416, %broadcast_in_dim3A_419, %select_n3A_413 : vector<4x42x128xi1>, vector<4x42x128xf32>
    %slice3A_421 = vector.extract_strided_slice %concatenate3A {offsets = [0, 57, 0, 0], sizes = [4, 1, 42, 128], strides = [1, 1, 1, 1]} : vector<4x80x42x128xf32> to vector<4x1x42x128xf32>
    %squeeze3A_422 = vector.shape_cast %slice3A_421 : vector<4x1x42x128xf32> to vector<4x42x128xf32>
    %gt3A_423 = arith.cmpf ogt, %squeeze3A_422, %select_n3A_417 : vector<4x42x128xf32>
    %select_n3A_424 = arith.select %gt3A_423, %squeeze3A_422, %select_n3A_417 : vector<4x42x128xi1>, vector<4x42x128xf32>
    %jit3A_425 = arith.constant 5.700000e+01 : f32
    %broadcast_in_dim3A_426 = vector.broadcast %jit3A_425 : f32 to vector<4x42x128xf32>
    %select_n3A_427 = arith.select %gt3A_423, %broadcast_in_dim3A_426, %select_n3A_420 : vector<4x42x128xi1>, vector<4x42x128xf32>
    %slice3A_428 = vector.extract_strided_slice %concatenate3A {offsets = [0, 58, 0, 0], sizes = [4, 1, 42, 128], strides = [1, 1, 1, 1]} : vector<4x80x42x128xf32> to vector<4x1x42x128xf32>
    %squeeze3A_429 = vector.shape_cast %slice3A_428 : vector<4x1x42x128xf32> to vector<4x42x128xf32>
    %gt3A_430 = arith.cmpf ogt, %squeeze3A_429, %select_n3A_424 : vector<4x42x128xf32>
    %select_n3A_431 = arith.select %gt3A_430, %squeeze3A_429, %select_n3A_424 : vector<4x42x128xi1>, vector<4x42x128xf32>
    %jit3A_432 = arith.constant 5.800000e+01 : f32
    %broadcast_in_dim3A_433 = vector.broadcast %jit3A_432 : f32 to vector<4x42x128xf32>
    %select_n3A_434 = arith.select %gt3A_430, %broadcast_in_dim3A_433, %select_n3A_427 : vector<4x42x128xi1>, vector<4x42x128xf32>
    %slice3A_435 = vector.extract_strided_slice %concatenate3A {offsets = [0, 59, 0, 0], sizes = [4, 1, 42, 128], strides = [1, 1, 1, 1]} : vector<4x80x42x128xf32> to vector<4x1x42x128xf32>
    %squeeze3A_436 = vector.shape_cast %slice3A_435 : vector<4x1x42x128xf32> to vector<4x42x128xf32>
    %gt3A_437 = arith.cmpf ogt, %squeeze3A_436, %select_n3A_431 : vector<4x42x128xf32>
    %select_n3A_438 = arith.select %gt3A_437, %squeeze3A_436, %select_n3A_431 : vector<4x42x128xi1>, vector<4x42x128xf32>
    %jit3A_439 = arith.constant 5.900000e+01 : f32
    %broadcast_in_dim3A_440 = vector.broadcast %jit3A_439 : f32 to vector<4x42x128xf32>
    %select_n3A_441 = arith.select %gt3A_437, %broadcast_in_dim3A_440, %select_n3A_434 : vector<4x42x128xi1>, vector<4x42x128xf32>
    %slice3A_442 = vector.extract_strided_slice %concatenate3A {offsets = [0, 60, 0, 0], sizes = [4, 1, 42, 128], strides = [1, 1, 1, 1]} : vector<4x80x42x128xf32> to vector<4x1x42x128xf32>
    %squeeze3A_443 = vector.shape_cast %slice3A_442 : vector<4x1x42x128xf32> to vector<4x42x128xf32>
    %gt3A_444 = arith.cmpf ogt, %squeeze3A_443, %select_n3A_438 : vector<4x42x128xf32>
    %select_n3A_445 = arith.select %gt3A_444, %squeeze3A_443, %select_n3A_438 : vector<4x42x128xi1>, vector<4x42x128xf32>
    %jit3A_446 = arith.constant 6.000000e+01 : f32
    %broadcast_in_dim3A_447 = vector.broadcast %jit3A_446 : f32 to vector<4x42x128xf32>
    %select_n3A_448 = arith.select %gt3A_444, %broadcast_in_dim3A_447, %select_n3A_441 : vector<4x42x128xi1>, vector<4x42x128xf32>
    %slice3A_449 = vector.extract_strided_slice %concatenate3A {offsets = [0, 61, 0, 0], sizes = [4, 1, 42, 128], strides = [1, 1, 1, 1]} : vector<4x80x42x128xf32> to vector<4x1x42x128xf32>
    %squeeze3A_450 = vector.shape_cast %slice3A_449 : vector<4x1x42x128xf32> to vector<4x42x128xf32>
    %gt3A_451 = arith.cmpf ogt, %squeeze3A_450, %select_n3A_445 : vector<4x42x128xf32>
    %select_n3A_452 = arith.select %gt3A_451, %squeeze3A_450, %select_n3A_445 : vector<4x42x128xi1>, vector<4x42x128xf32>
    %jit3A_453 = arith.constant 6.100000e+01 : f32
    %broadcast_in_dim3A_454 = vector.broadcast %jit3A_453 : f32 to vector<4x42x128xf32>
    %select_n3A_455 = arith.select %gt3A_451, %broadcast_in_dim3A_454, %select_n3A_448 : vector<4x42x128xi1>, vector<4x42x128xf32>
    %slice3A_456 = vector.extract_strided_slice %concatenate3A {offsets = [0, 62, 0, 0], sizes = [4, 1, 42, 128], strides = [1, 1, 1, 1]} : vector<4x80x42x128xf32> to vector<4x1x42x128xf32>
    %squeeze3A_457 = vector.shape_cast %slice3A_456 : vector<4x1x42x128xf32> to vector<4x42x128xf32>
    %gt3A_458 = arith.cmpf ogt, %squeeze3A_457, %select_n3A_452 : vector<4x42x128xf32>
    %select_n3A_459 = arith.select %gt3A_458, %squeeze3A_457, %select_n3A_452 : vector<4x42x128xi1>, vector<4x42x128xf32>
    %jit3A_460 = arith.constant 6.200000e+01 : f32
    %broadcast_in_dim3A_461 = vector.broadcast %jit3A_460 : f32 to vector<4x42x128xf32>
    %select_n3A_462 = arith.select %gt3A_458, %broadcast_in_dim3A_461, %select_n3A_455 : vector<4x42x128xi1>, vector<4x42x128xf32>
    %slice3A_463 = vector.extract_strided_slice %concatenate3A {offsets = [0, 63, 0, 0], sizes = [4, 1, 42, 128], strides = [1, 1, 1, 1]} : vector<4x80x42x128xf32> to vector<4x1x42x128xf32>
    %squeeze3A_464 = vector.shape_cast %slice3A_463 : vector<4x1x42x128xf32> to vector<4x42x128xf32>
    %gt3A_465 = arith.cmpf ogt, %squeeze3A_464, %select_n3A_459 : vector<4x42x128xf32>
    %select_n3A_466 = arith.select %gt3A_465, %squeeze3A_464, %select_n3A_459 : vector<4x42x128xi1>, vector<4x42x128xf32>
    %jit3A_467 = arith.constant 6.300000e+01 : f32
    %broadcast_in_dim3A_468 = vector.broadcast %jit3A_467 : f32 to vector<4x42x128xf32>
    %select_n3A_469 = arith.select %gt3A_465, %broadcast_in_dim3A_468, %select_n3A_462 : vector<4x42x128xi1>, vector<4x42x128xf32>
    %slice3A_470 = vector.extract_strided_slice %concatenate3A {offsets = [0, 64, 0, 0], sizes = [4, 1, 42, 128], strides = [1, 1, 1, 1]} : vector<4x80x42x128xf32> to vector<4x1x42x128xf32>
    %squeeze3A_471 = vector.shape_cast %slice3A_470 : vector<4x1x42x128xf32> to vector<4x42x128xf32>
    %gt3A_472 = arith.cmpf ogt, %squeeze3A_471, %select_n3A_466 : vector<4x42x128xf32>
    %select_n3A_473 = arith.select %gt3A_472, %squeeze3A_471, %select_n3A_466 : vector<4x42x128xi1>, vector<4x42x128xf32>
    %jit3A_474 = arith.constant 6.400000e+01 : f32
    %broadcast_in_dim3A_475 = vector.broadcast %jit3A_474 : f32 to vector<4x42x128xf32>
    %select_n3A_476 = arith.select %gt3A_472, %broadcast_in_dim3A_475, %select_n3A_469 : vector<4x42x128xi1>, vector<4x42x128xf32>
    %slice3A_477 = vector.extract_strided_slice %concatenate3A {offsets = [0, 65, 0, 0], sizes = [4, 1, 42, 128], strides = [1, 1, 1, 1]} : vector<4x80x42x128xf32> to vector<4x1x42x128xf32>
    %squeeze3A_478 = vector.shape_cast %slice3A_477 : vector<4x1x42x128xf32> to vector<4x42x128xf32>
    %gt3A_479 = arith.cmpf ogt, %squeeze3A_478, %select_n3A_473 : vector<4x42x128xf32>
    %select_n3A_480 = arith.select %gt3A_479, %squeeze3A_478, %select_n3A_473 : vector<4x42x128xi1>, vector<4x42x128xf32>
    %jit3A_481 = arith.constant 6.500000e+01 : f32
    %broadcast_in_dim3A_482 = vector.broadcast %jit3A_481 : f32 to vector<4x42x128xf32>
    %select_n3A_483 = arith.select %gt3A_479, %broadcast_in_dim3A_482, %select_n3A_476 : vector<4x42x128xi1>, vector<4x42x128xf32>
    %slice3A_484 = vector.extract_strided_slice %concatenate3A {offsets = [0, 66, 0, 0], sizes = [4, 1, 42, 128], strides = [1, 1, 1, 1]} : vector<4x80x42x128xf32> to vector<4x1x42x128xf32>
    %squeeze3A_485 = vector.shape_cast %slice3A_484 : vector<4x1x42x128xf32> to vector<4x42x128xf32>
    %gt3A_486 = arith.cmpf ogt, %squeeze3A_485, %select_n3A_480 : vector<4x42x128xf32>
    %select_n3A_487 = arith.select %gt3A_486, %squeeze3A_485, %select_n3A_480 : vector<4x42x128xi1>, vector<4x42x128xf32>
    %jit3A_488 = arith.constant 6.600000e+01 : f32
    %broadcast_in_dim3A_489 = vector.broadcast %jit3A_488 : f32 to vector<4x42x128xf32>
    %select_n3A_490 = arith.select %gt3A_486, %broadcast_in_dim3A_489, %select_n3A_483 : vector<4x42x128xi1>, vector<4x42x128xf32>
    %slice3A_491 = vector.extract_strided_slice %concatenate3A {offsets = [0, 67, 0, 0], sizes = [4, 1, 42, 128], strides = [1, 1, 1, 1]} : vector<4x80x42x128xf32> to vector<4x1x42x128xf32>
    %squeeze3A_492 = vector.shape_cast %slice3A_491 : vector<4x1x42x128xf32> to vector<4x42x128xf32>
    %gt3A_493 = arith.cmpf ogt, %squeeze3A_492, %select_n3A_487 : vector<4x42x128xf32>
    %select_n3A_494 = arith.select %gt3A_493, %squeeze3A_492, %select_n3A_487 : vector<4x42x128xi1>, vector<4x42x128xf32>
    %jit3A_495 = arith.constant 6.700000e+01 : f32
    %broadcast_in_dim3A_496 = vector.broadcast %jit3A_495 : f32 to vector<4x42x128xf32>
    %select_n3A_497 = arith.select %gt3A_493, %broadcast_in_dim3A_496, %select_n3A_490 : vector<4x42x128xi1>, vector<4x42x128xf32>
    %slice3A_498 = vector.extract_strided_slice %concatenate3A {offsets = [0, 68, 0, 0], sizes = [4, 1, 42, 128], strides = [1, 1, 1, 1]} : vector<4x80x42x128xf32> to vector<4x1x42x128xf32>
    %squeeze3A_499 = vector.shape_cast %slice3A_498 : vector<4x1x42x128xf32> to vector<4x42x128xf32>
    %gt3A_500 = arith.cmpf ogt, %squeeze3A_499, %select_n3A_494 : vector<4x42x128xf32>
    %select_n3A_501 = arith.select %gt3A_500, %squeeze3A_499, %select_n3A_494 : vector<4x42x128xi1>, vector<4x42x128xf32>
    %jit3A_502 = arith.constant 6.800000e+01 : f32
    %broadcast_in_dim3A_503 = vector.broadcast %jit3A_502 : f32 to vector<4x42x128xf32>
    %select_n3A_504 = arith.select %gt3A_500, %broadcast_in_dim3A_503, %select_n3A_497 : vector<4x42x128xi1>, vector<4x42x128xf32>
    %slice3A_505 = vector.extract_strided_slice %concatenate3A {offsets = [0, 69, 0, 0], sizes = [4, 1, 42, 128], strides = [1, 1, 1, 1]} : vector<4x80x42x128xf32> to vector<4x1x42x128xf32>
    %squeeze3A_506 = vector.shape_cast %slice3A_505 : vector<4x1x42x128xf32> to vector<4x42x128xf32>
    %gt3A_507 = arith.cmpf ogt, %squeeze3A_506, %select_n3A_501 : vector<4x42x128xf32>
    %select_n3A_508 = arith.select %gt3A_507, %squeeze3A_506, %select_n3A_501 : vector<4x42x128xi1>, vector<4x42x128xf32>
    %jit3A_509 = arith.constant 6.900000e+01 : f32
    %broadcast_in_dim3A_510 = vector.broadcast %jit3A_509 : f32 to vector<4x42x128xf32>
    %select_n3A_511 = arith.select %gt3A_507, %broadcast_in_dim3A_510, %select_n3A_504 : vector<4x42x128xi1>, vector<4x42x128xf32>
    %slice3A_512 = vector.extract_strided_slice %concatenate3A {offsets = [0, 70, 0, 0], sizes = [4, 1, 42, 128], strides = [1, 1, 1, 1]} : vector<4x80x42x128xf32> to vector<4x1x42x128xf32>
    %squeeze3A_513 = vector.shape_cast %slice3A_512 : vector<4x1x42x128xf32> to vector<4x42x128xf32>
    %gt3A_514 = arith.cmpf ogt, %squeeze3A_513, %select_n3A_508 : vector<4x42x128xf32>
    %select_n3A_515 = arith.select %gt3A_514, %squeeze3A_513, %select_n3A_508 : vector<4x42x128xi1>, vector<4x42x128xf32>
    %jit3A_516 = arith.constant 7.000000e+01 : f32
    %broadcast_in_dim3A_517 = vector.broadcast %jit3A_516 : f32 to vector<4x42x128xf32>
    %select_n3A_518 = arith.select %gt3A_514, %broadcast_in_dim3A_517, %select_n3A_511 : vector<4x42x128xi1>, vector<4x42x128xf32>
    %slice3A_519 = vector.extract_strided_slice %concatenate3A {offsets = [0, 71, 0, 0], sizes = [4, 1, 42, 128], strides = [1, 1, 1, 1]} : vector<4x80x42x128xf32> to vector<4x1x42x128xf32>
    %squeeze3A_520 = vector.shape_cast %slice3A_519 : vector<4x1x42x128xf32> to vector<4x42x128xf32>
    %gt3A_521 = arith.cmpf ogt, %squeeze3A_520, %select_n3A_515 : vector<4x42x128xf32>
    %select_n3A_522 = arith.select %gt3A_521, %squeeze3A_520, %select_n3A_515 : vector<4x42x128xi1>, vector<4x42x128xf32>
    %jit3A_523 = arith.constant 7.100000e+01 : f32
    %broadcast_in_dim3A_524 = vector.broadcast %jit3A_523 : f32 to vector<4x42x128xf32>
    %select_n3A_525 = arith.select %gt3A_521, %broadcast_in_dim3A_524, %select_n3A_518 : vector<4x42x128xi1>, vector<4x42x128xf32>
    %slice3A_526 = vector.extract_strided_slice %concatenate3A {offsets = [0, 72, 0, 0], sizes = [4, 1, 42, 128], strides = [1, 1, 1, 1]} : vector<4x80x42x128xf32> to vector<4x1x42x128xf32>
    %squeeze3A_527 = vector.shape_cast %slice3A_526 : vector<4x1x42x128xf32> to vector<4x42x128xf32>
    %gt3A_528 = arith.cmpf ogt, %squeeze3A_527, %select_n3A_522 : vector<4x42x128xf32>
    %select_n3A_529 = arith.select %gt3A_528, %squeeze3A_527, %select_n3A_522 : vector<4x42x128xi1>, vector<4x42x128xf32>
    %jit3A_530 = arith.constant 7.200000e+01 : f32
    %broadcast_in_dim3A_531 = vector.broadcast %jit3A_530 : f32 to vector<4x42x128xf32>
    %select_n3A_532 = arith.select %gt3A_528, %broadcast_in_dim3A_531, %select_n3A_525 : vector<4x42x128xi1>, vector<4x42x128xf32>
    %slice3A_533 = vector.extract_strided_slice %concatenate3A {offsets = [0, 73, 0, 0], sizes = [4, 1, 42, 128], strides = [1, 1, 1, 1]} : vector<4x80x42x128xf32> to vector<4x1x42x128xf32>
    %squeeze3A_534 = vector.shape_cast %slice3A_533 : vector<4x1x42x128xf32> to vector<4x42x128xf32>
    %gt3A_535 = arith.cmpf ogt, %squeeze3A_534, %select_n3A_529 : vector<4x42x128xf32>
    %select_n3A_536 = arith.select %gt3A_535, %squeeze3A_534, %select_n3A_529 : vector<4x42x128xi1>, vector<4x42x128xf32>
    %jit3A_537 = arith.constant 7.300000e+01 : f32
    %broadcast_in_dim3A_538 = vector.broadcast %jit3A_537 : f32 to vector<4x42x128xf32>
    %select_n3A_539 = arith.select %gt3A_535, %broadcast_in_dim3A_538, %select_n3A_532 : vector<4x42x128xi1>, vector<4x42x128xf32>
    %slice3A_540 = vector.extract_strided_slice %concatenate3A {offsets = [0, 74, 0, 0], sizes = [4, 1, 42, 128], strides = [1, 1, 1, 1]} : vector<4x80x42x128xf32> to vector<4x1x42x128xf32>
    %squeeze3A_541 = vector.shape_cast %slice3A_540 : vector<4x1x42x128xf32> to vector<4x42x128xf32>
    %gt3A_542 = arith.cmpf ogt, %squeeze3A_541, %select_n3A_536 : vector<4x42x128xf32>
    %select_n3A_543 = arith.select %gt3A_542, %squeeze3A_541, %select_n3A_536 : vector<4x42x128xi1>, vector<4x42x128xf32>
    %jit3A_544 = arith.constant 7.400000e+01 : f32
    %broadcast_in_dim3A_545 = vector.broadcast %jit3A_544 : f32 to vector<4x42x128xf32>
    %select_n3A_546 = arith.select %gt3A_542, %broadcast_in_dim3A_545, %select_n3A_539 : vector<4x42x128xi1>, vector<4x42x128xf32>
    %slice3A_547 = vector.extract_strided_slice %concatenate3A {offsets = [0, 75, 0, 0], sizes = [4, 1, 42, 128], strides = [1, 1, 1, 1]} : vector<4x80x42x128xf32> to vector<4x1x42x128xf32>
    %squeeze3A_548 = vector.shape_cast %slice3A_547 : vector<4x1x42x128xf32> to vector<4x42x128xf32>
    %gt3A_549 = arith.cmpf ogt, %squeeze3A_548, %select_n3A_543 : vector<4x42x128xf32>
    %select_n3A_550 = arith.select %gt3A_549, %squeeze3A_548, %select_n3A_543 : vector<4x42x128xi1>, vector<4x42x128xf32>
    %jit3A_551 = arith.constant 7.500000e+01 : f32
    %broadcast_in_dim3A_552 = vector.broadcast %jit3A_551 : f32 to vector<4x42x128xf32>
    %select_n3A_553 = arith.select %gt3A_549, %broadcast_in_dim3A_552, %select_n3A_546 : vector<4x42x128xi1>, vector<4x42x128xf32>
    %slice3A_554 = vector.extract_strided_slice %concatenate3A {offsets = [0, 76, 0, 0], sizes = [4, 1, 42, 128], strides = [1, 1, 1, 1]} : vector<4x80x42x128xf32> to vector<4x1x42x128xf32>
    %squeeze3A_555 = vector.shape_cast %slice3A_554 : vector<4x1x42x128xf32> to vector<4x42x128xf32>
    %gt3A_556 = arith.cmpf ogt, %squeeze3A_555, %select_n3A_550 : vector<4x42x128xf32>
    %select_n3A_557 = arith.select %gt3A_556, %squeeze3A_555, %select_n3A_550 : vector<4x42x128xi1>, vector<4x42x128xf32>
    %jit3A_558 = arith.constant 7.600000e+01 : f32
    %broadcast_in_dim3A_559 = vector.broadcast %jit3A_558 : f32 to vector<4x42x128xf32>
    %select_n3A_560 = arith.select %gt3A_556, %broadcast_in_dim3A_559, %select_n3A_553 : vector<4x42x128xi1>, vector<4x42x128xf32>
    %slice3A_561 = vector.extract_strided_slice %concatenate3A {offsets = [0, 77, 0, 0], sizes = [4, 1, 42, 128], strides = [1, 1, 1, 1]} : vector<4x80x42x128xf32> to vector<4x1x42x128xf32>
    %squeeze3A_562 = vector.shape_cast %slice3A_561 : vector<4x1x42x128xf32> to vector<4x42x128xf32>
    %gt3A_563 = arith.cmpf ogt, %squeeze3A_562, %select_n3A_557 : vector<4x42x128xf32>
    %select_n3A_564 = arith.select %gt3A_563, %squeeze3A_562, %select_n3A_557 : vector<4x42x128xi1>, vector<4x42x128xf32>
    %jit3A_565 = arith.constant 7.700000e+01 : f32
    %broadcast_in_dim3A_566 = vector.broadcast %jit3A_565 : f32 to vector<4x42x128xf32>
    %select_n3A_567 = arith.select %gt3A_563, %broadcast_in_dim3A_566, %select_n3A_560 : vector<4x42x128xi1>, vector<4x42x128xf32>
    %slice3A_568 = vector.extract_strided_slice %concatenate3A {offsets = [0, 78, 0, 0], sizes = [4, 1, 42, 128], strides = [1, 1, 1, 1]} : vector<4x80x42x128xf32> to vector<4x1x42x128xf32>
    %squeeze3A_569 = vector.shape_cast %slice3A_568 : vector<4x1x42x128xf32> to vector<4x42x128xf32>
    %gt3A_570 = arith.cmpf ogt, %squeeze3A_569, %select_n3A_564 : vector<4x42x128xf32>
    %select_n3A_571 = arith.select %gt3A_570, %squeeze3A_569, %select_n3A_564 : vector<4x42x128xi1>, vector<4x42x128xf32>
    %jit3A_572 = arith.constant 7.800000e+01 : f32
    %broadcast_in_dim3A_573 = vector.broadcast %jit3A_572 : f32 to vector<4x42x128xf32>
    %select_n3A_574 = arith.select %gt3A_570, %broadcast_in_dim3A_573, %select_n3A_567 : vector<4x42x128xi1>, vector<4x42x128xf32>
    %slice3A_575 = vector.extract_strided_slice %concatenate3A {offsets = [0, 79, 0, 0], sizes = [4, 1, 42, 128], strides = [1, 1, 1, 1]} : vector<4x80x42x128xf32> to vector<4x1x42x128xf32>
    %squeeze3A_576 = vector.shape_cast %slice3A_575 : vector<4x1x42x128xf32> to vector<4x42x128xf32>
    %gt3A_577 = arith.cmpf ogt, %squeeze3A_576, %select_n3A_571 : vector<4x42x128xf32>
    %select_n3A_578 = arith.select %gt3A_577, %squeeze3A_576, %select_n3A_571 : vector<4x42x128xi1>, vector<4x42x128xf32>
    %jit3A_579 = arith.constant 7.900000e+01 : f32
    %broadcast_in_dim3A_580 = vector.broadcast %jit3A_579 : f32 to vector<4x42x128xf32>
    %select_n3A_581 = arith.select %gt3A_577, %broadcast_in_dim3A_580, %select_n3A_574 : vector<4x42x128xi1>, vector<4x42x128xf32>
    %get3A_582 = arith.constant 0 : index
    %get3A_583 = arith.constant 0 : index
    %get3A_584 = vector.load %arg6[%get3A_582, %get3A_583] : memref<42x128xf32, #tpu.memory_space<vmem>>, vector<42x128xf32>
    %broadcast_in_dim3A_585 = vector.shape_cast %get3A_584 : vector<42x128xf32> to vector<1x42x128xf32>
    %get3A_586 = arith.constant 0 : index
    %get3A_587 = arith.constant 0 : index
    %get3A_588 = vector.load %arg7[%get3A_586, %get3A_587] : memref<42x128xf32, #tpu.memory_space<vmem>>, vector<42x128xf32>
    %broadcast_in_dim3A_589 = vector.shape_cast %get3A_588 : vector<42x128xf32> to vector<1x42x128xf32>
    %get3A_590 = arith.constant 0 : index
    %get3A_591 = arith.constant 0 : index
    %get3A_592 = vector.load %arg8[%get3A_590, %get3A_591] : memref<42x128xf32, #tpu.memory_space<vmem>>, vector<42x128xf32>
    %broadcast_in_dim3A_593 = vector.shape_cast %get3A_592 : vector<42x128xf32> to vector<1x42x128xf32>
    %get3A_594 = arith.constant 0 : index
    %get3A_595 = arith.constant 0 : index
    %get3A_596 = arith.constant 0 : index
    %get3A_597 = arith.constant 0 : index
    %get3A_598 = vector.load %arg3[%get3A_594, %get3A_595, %get3A_596, %get3A_597] : memref<4x4x32x128xf32, #tpu.memory_space<vmem>>, vector<4x4x32x128xf32>
    %exp3A = math.exp %get3A_598 : vector<4x4x32x128xf32>
    %get3A_599 = arith.constant 0 : index
    %get3A_600 = arith.constant 0 : index
    %get3A_601 = arith.constant 0 : index
    %get3A_602 = arith.constant 0 : index
    %get3A_603 = vector.load %arg4[%get3A_599, %get3A_600, %get3A_601, %get3A_602] : memref<4x4x8x128xf32, #tpu.memory_space<vmem>>, vector<4x4x8x128xf32>
    %exp3A_604 = math.exp %get3A_603 : vector<4x4x8x128xf32>
    %get3A_605 = arith.constant 0 : index
    %get3A_606 = arith.constant 0 : index
    %get3A_607 = arith.constant 0 : index
    %get3A_608 = arith.constant 0 : index
    %get3A_609 = vector.load %arg5[%get3A_605, %get3A_606, %get3A_607, %get3A_608] : memref<4x4x2x128xf32, #tpu.memory_space<vmem>>, vector<4x4x2x128xf32>
    %exp3A_610 = math.exp %get3A_609 : vector<4x4x2x128xf32>
    %concatenate3A_611 = tpu.concatenate %exp3A, %exp3A_604, %exp3A_610 in 2 : vector<4x4x32x128xf32>, vector<4x4x8x128xf32>, vector<4x4x2x128xf32> -> vector<4x4x42x128xf32>
    %broadcast_in_dim3A_612 = vector.shape_cast %broadcast_in_dim3A_593 : vector<1x42x128xf32> to vector<1x1x42x128xf32>
    %mul3A = vector.broadcast %broadcast_in_dim3A_612 : vector<1x1x42x128xf32> to vector<4x4x42x128xf32>
    %mul3A_613 = arith.mulf %concatenate3A_611, %mul3A : vector<4x4x42x128xf32>
    %slice3A_614 = vector.extract_strided_slice %mul3A_613 {offsets = [0, 0, 0, 0], sizes = [4, 1, 42, 128], strides = [1, 1, 1, 1]} : vector<4x4x42x128xf32> to vector<4x1x42x128xf32>
    %squeeze3A_615 = vector.shape_cast %slice3A_614 : vector<4x1x42x128xf32> to vector<4x42x128xf32>
    %sub3A = vector.broadcast %broadcast_in_dim3A_585 : vector<1x42x128xf32> to vector<4x42x128xf32>
    %sub3A_616 = arith.subf %sub3A, %squeeze3A_615 : vector<4x42x128xf32>
    %slice3A_617 = vector.extract_strided_slice %mul3A_613 {offsets = [0, 1, 0, 0], sizes = [4, 1, 42, 128], strides = [1, 1, 1, 1]} : vector<4x4x42x128xf32> to vector<4x1x42x128xf32>
    %squeeze3A_618 = vector.shape_cast %slice3A_617 : vector<4x1x42x128xf32> to vector<4x42x128xf32>
    %sub3A_619 = vector.broadcast %broadcast_in_dim3A_589 : vector<1x42x128xf32> to vector<4x42x128xf32>
    %sub3A_620 = arith.subf %sub3A_619, %squeeze3A_618 : vector<4x42x128xf32>
    %slice3A_621 = vector.extract_strided_slice %mul3A_613 {offsets = [0, 2, 0, 0], sizes = [4, 1, 42, 128], strides = [1, 1, 1, 1]} : vector<4x4x42x128xf32> to vector<4x1x42x128xf32>
    %squeeze3A_622 = vector.shape_cast %slice3A_621 : vector<4x1x42x128xf32> to vector<4x42x128xf32>
    %add3A = vector.broadcast %broadcast_in_dim3A_585 : vector<1x42x128xf32> to vector<4x42x128xf32>
    %add3A_623 = arith.addf %add3A, %squeeze3A_622 : vector<4x42x128xf32>
    %slice3A_624 = vector.extract_strided_slice %mul3A_613 {offsets = [0, 3, 0, 0], sizes = [4, 1, 42, 128], strides = [1, 1, 1, 1]} : vector<4x4x42x128xf32> to vector<4x1x42x128xf32>
    %squeeze3A_625 = vector.shape_cast %slice3A_624 : vector<4x1x42x128xf32> to vector<4x42x128xf32>
    %add3A_626 = vector.broadcast %broadcast_in_dim3A_589 : vector<1x42x128xf32> to vector<4x42x128xf32>
    %add3A_627 = arith.addf %add3A_626, %squeeze3A_625 : vector<4x42x128xf32>
    %sub3A_628 = arith.subf %add3A_623, %sub3A_616 : vector<4x42x128xf32>
    %max3A = arith.constant 0.000000e+00 : f32
    %max3A_629 = vector.broadcast %max3A : f32 to vector<4x42x128xf32>
    %max3A_630 = arith.maximumf %sub3A_628, %max3A_629 : vector<4x42x128xf32>
    %sub3A_631 = arith.subf %add3A_627, %sub3A_620 : vector<4x42x128xf32>
    %max3A_632 = arith.constant 0.000000e+00 : f32
    %max3A_633 = vector.broadcast %max3A_632 : f32 to vector<4x42x128xf32>
    %max3A_634 = arith.maximumf %sub3A_631, %max3A_633 : vector<4x42x128xf32>
    %mul3A_635 = arith.mulf %max3A_630, %max3A_634 : vector<4x42x128xf32>
    %gt3A_636 = arith.constant 5.000000e-02 : f32
    %gt3A_637 = vector.broadcast %gt3A_636 : f32 to vector<4x42x128xf32>
    %gt3A_638 = arith.cmpf ogt, %select_n3A_578, %gt3A_637 : vector<4x42x128xf32>
    %jit3A_639 = arith.constant -2.000000e+00 : f32
    %broadcast_in_dim3A_640 = vector.broadcast %jit3A_639 : f32 to vector<4x42x128xf32>
    %select_n3A_641 = arith.select %gt3A_638, %select_n3A_578, %broadcast_in_dim3A_640 : vector<4x42x128xi1>, vector<4x42x128xf32>
    %broadcast_in_dim3A_642 = arith.constant 0 : i32
    %broadcast_in_dim3A_643 = vector.broadcast %broadcast_in_dim3A_642 : i32 to vector<4x1x1xi32>
    %broadcast_in_dim3A_644 = arith.constant 1065353216 : i32
    %broadcast_in_dim3A_645 = vector.broadcast %broadcast_in_dim3A_644 : i32 to vector<4x1x1xi32>
    %scan3A = arith.constant 0 : i32
    %scan3A_646 = arith.constant 31 : i32
    %scan3A_647 = arith.addi %scan3A, %scan3A_646 : i32
    %scan3A_648 = arith.constant 1 : i32
    %scan3A_649:2 = scf.for %scan3A_712 = %scan3A to %scan3A_647 step %scan3A_648 iter_args(%scan3A_713 = %broadcast_in_dim3A_643, %scan3A_714 = %broadcast_in_dim3A_645) -> (vector<4x1x1xi32>, vector<4x1x1xi32>)  : i32 {
      %sub3A_715 = arith.subi %scan3A_714, %scan3A_713 : vector<4x1x1xi32>
      %add3A_716 = arith.constant 1 : i32
      %add3A_717 = vector.broadcast %add3A_716 : i32 to vector<4x1x1xi32>
      %add3A_718 = arith.addi %sub3A_715, %add3A_717 : vector<4x1x1xi32>
      %jit3A_719 = arith.constant 2 : i32
      %div3A = vector.broadcast %jit3A_719 : i32 to vector<4x1x1xi32>
      %div3A_720 = arith.divsi %add3A_718, %div3A : vector<4x1x1xi32>
      %sign3A = arith.constant 0 : i32
      %sign3A_721 = vector.broadcast %sign3A : i32 to vector<4x1x1xi32>
      %sign3A_722 = arith.cmpi sgt, %add3A_718, %sign3A_721 : vector<4x1x1xi32>
      %sign3A_723 = arith.extui %sign3A_722 : vector<4x1x1xi1> to vector<4x1x1xi32>
      %sign3A_724 = arith.constant 0 : i32
      %sign3A_725 = vector.broadcast %sign3A_724 : i32 to vector<4x1x1xi32>
      %sign3A_726 = arith.cmpi slt, %add3A_718, %sign3A_725 : vector<4x1x1xi32>
      %sign3A_727 = arith.extui %sign3A_726 : vector<4x1x1xi1> to vector<4x1x1xi32>
      %sign3A_728 = arith.subi %sign3A_723, %sign3A_727 : vector<4x1x1xi32>
      %sign3A_729 = arith.constant 0 : i32
      %sign3A_730 = arith.cmpi sgt, %jit3A_719, %sign3A_729 : i32
      %sign3A_731 = arith.extui %sign3A_730 : i1 to i32
      %sign3A_732 = arith.constant 0 : i32
      %sign3A_733 = arith.cmpi slt, %jit3A_719, %sign3A_732 : i32
      %sign3A_734 = arith.extui %sign3A_733 : i1 to i32
      %sign3A_735 = arith.subi %sign3A_731, %sign3A_734 : i32
      %ne3A = vector.broadcast %sign3A_735 : i32 to vector<4x1x1xi32>
      %ne3A_736 = arith.cmpi ne, %sign3A_728, %ne3A : vector<4x1x1xi32>
      %rem3A = vector.broadcast %jit3A_719 : i32 to vector<4x1x1xi32>
      %rem3A_737 = arith.remsi %add3A_718, %rem3A : vector<4x1x1xi32>
      %ne3A_738 = arith.constant 0 : i32
      %ne3A_739 = vector.broadcast %ne3A_738 : i32 to vector<4x1x1xi32>
      %ne3A_740 = arith.cmpi ne, %rem3A_737, %ne3A_739 : vector<4x1x1xi32>
      %and3A = arith.andi %ne3A_736, %ne3A_740 : vector<4x1x1xi1>
      %sub3A_741 = arith.constant 1 : i32
      %sub3A_742 = vector.broadcast %sub3A_741 : i32 to vector<4x1x1xi32>
      %sub3A_743 = arith.subi %div3A_720, %sub3A_742 : vector<4x1x1xi32>
      %select_n3A_744 = arith.select %and3A, %sub3A_743, %div3A_720 : vector<4x1x1xi1>, vector<4x1x1xi32>
      %add3A_745 = arith.addi %scan3A_713, %select_n3A_744 : vector<4x1x1xi32>
      %broadcast_in_dim3A_746 = vector.shape_cast %add3A_745 : vector<4x1x1xi32> to vector<4x1x1xi32>
      %broadcast_in_dim3A_747 = vector.broadcast %broadcast_in_dim3A_746 : vector<4x1x1xi32> to vector<4x42x128xi32>
      %bitcast_convert_type3A_748 = tpu.bitcast %broadcast_in_dim3A_747 : vector<4x42x128xi32> -> vector<4x42x128xf32>
      %ge3A_749 = arith.cmpf oge, %select_n3A_641, %bitcast_convert_type3A_748 : vector<4x42x128xf32>
      %convert_element_type3A = arith.extui %ge3A_749 : vector<4x42x128xi1> to vector<4x42x128xi32>
      %reduce_sum3A = arith.constant dense<0> : vector<4xi32>
      %reduce_sum3A_750 = vector.multi_reduction <add>, %convert_element_type3A, %reduce_sum3A [1, 2] : vector<4x42x128xi32> to vector<4xi32>
      %broadcast_in_dim3A_751 = vector.shape_cast %reduce_sum3A_750 : vector<4xi32> to vector<4x1x1xi32>
      %ge3A_752 = arith.constant 1000 : i32
      %ge3A_753 = vector.broadcast %ge3A_752 : i32 to vector<4x1x1xi32>
      %ge3A_754 = arith.cmpi sge, %broadcast_in_dim3A_751, %ge3A_753 : vector<4x1x1xi32>
      %select_n3A_755 = arith.select %ge3A_754, %add3A_745, %scan3A_713 : vector<4x1x1xi1>, vector<4x1x1xi32>
      %sub3A_756 = arith.constant 1 : i32
      %sub3A_757 = vector.broadcast %sub3A_756 : i32 to vector<4x1x1xi32>
      %sub3A_758 = arith.subi %add3A_745, %sub3A_757 : vector<4x1x1xi32>
      %select_n3A_759 = arith.select %ge3A_754, %scan3A_714, %sub3A_758 : vector<4x1x1xi1>, vector<4x1x1xi32>
      scf.yield %select_n3A_755, %select_n3A_759 : vector<4x1x1xi32>, vector<4x1x1xi32>
    }
    %broadcast_in_dim3A_650 = vector.shape_cast %scan3A_649#0 : vector<4x1x1xi32> to vector<4x1x1xi32>
    %broadcast_in_dim3A_651 = vector.broadcast %broadcast_in_dim3A_650 : vector<4x1x1xi32> to vector<4x42x128xi32>
    %bitcast_convert_type3A = tpu.bitcast %broadcast_in_dim3A_651 : vector<4x42x128xi32> -> vector<4x42x128xf32>
    %ge3A = arith.cmpf oge, %select_n3A_641, %bitcast_convert_type3A : vector<4x42x128xf32>
    %jit3A_652 = arith.constant -2.000000e+00 : f32
    %broadcast_in_dim3A_653 = vector.broadcast %jit3A_652 : f32 to vector<4x42x128xf32>
    %select_n3A_654 = arith.select %ge3A, %select_n3A_641, %broadcast_in_dim3A_653 : vector<4x42x128xi1>, vector<4x42x128xf32>
    %swap3A = arith.constant 0 : index
    %swap3A_655 = arith.constant 0 : index
    %swap3A_656 = arith.constant 0 : index
    %swap3A_657 = arith.constant 0 : index
    %swap3A_658 = vector.load %arg9[%swap3A, %swap3A_655, %swap3A_656, %swap3A_657] : memref<4x8x42x128xf32, #tpu.memory_space<vmem>>, vector<4x1x42x128xf32>
    %swap3A_659 = vector.shape_cast %swap3A_658 : vector<4x1x42x128xf32> to vector<4x42x128xf32>
    %swap3A_660 = vector.shape_cast %select_n3A_654 : vector<4x42x128xf32> to vector<4x1x42x128xf32>
    tpu.vector_store %arg9[%swap3A, %swap3A_655, %swap3A_656, %swap3A_657], %swap3A_660 {strides = array<i32>} : memref<4x8x42x128xf32, #tpu.memory_space<vmem>>, vector<4x1x42x128xf32>,
    %swap3A_661 = arith.constant 0 : index
    %swap3A_662 = arith.constant 1 : index
    %swap3A_663 = arith.constant 0 : index
    %swap3A_664 = arith.constant 0 : index
    %swap3A_665 = vector.load %arg9[%swap3A_661, %swap3A_662, %swap3A_663, %swap3A_664] : memref<4x8x42x128xf32, #tpu.memory_space<vmem>>, vector<4x1x42x128xf32>
    %swap3A_666 = vector.shape_cast %swap3A_665 : vector<4x1x42x128xf32> to vector<4x42x128xf32>
    %swap3A_667 = vector.shape_cast %sub3A_616 : vector<4x42x128xf32> to vector<4x1x42x128xf32>
    tpu.vector_store %arg9[%swap3A_661, %swap3A_662, %swap3A_663, %swap3A_664], %swap3A_667 {strides = array<i32>} : memref<4x8x42x128xf32, #tpu.memory_space<vmem>>, vector<4x1x42x128xf32>,
    %swap3A_668 = arith.constant 0 : index
    %swap3A_669 = arith.constant 2 : index
    %swap3A_670 = arith.constant 0 : index
    %swap3A_671 = arith.constant 0 : index
    %swap3A_672 = vector.load %arg9[%swap3A_668, %swap3A_669, %swap3A_670, %swap3A_671] : memref<4x8x42x128xf32, #tpu.memory_space<vmem>>, vector<4x1x42x128xf32>
    %swap3A_673 = vector.shape_cast %swap3A_672 : vector<4x1x42x128xf32> to vector<4x42x128xf32>
    %swap3A_674 = vector.shape_cast %sub3A_620 : vector<4x42x128xf32> to vector<4x1x42x128xf32>
    tpu.vector_store %arg9[%swap3A_668, %swap3A_669, %swap3A_670, %swap3A_671], %swap3A_674 {strides = array<i32>} : memref<4x8x42x128xf32, #tpu.memory_space<vmem>>, vector<4x1x42x128xf32>,
    %swap3A_675 = arith.constant 0 : index
    %swap3A_676 = arith.constant 3 : index
    %swap3A_677 = arith.constant 0 : index
    %swap3A_678 = arith.constant 0 : index
    %swap3A_679 = vector.load %arg9[%swap3A_675, %swap3A_676, %swap3A_677, %swap3A_678] : memref<4x8x42x128xf32, #tpu.memory_space<vmem>>, vector<4x1x42x128xf32>
    %swap3A_680 = vector.shape_cast %swap3A_679 : vector<4x1x42x128xf32> to vector<4x42x128xf32>
    %swap3A_681 = vector.shape_cast %add3A_623 : vector<4x42x128xf32> to vector<4x1x42x128xf32>
    tpu.vector_store %arg9[%swap3A_675, %swap3A_676, %swap3A_677, %swap3A_678], %swap3A_681 {strides = array<i32>} : memref<4x8x42x128xf32, #tpu.memory_space<vmem>>, vector<4x1x42x128xf32>,
    %swap3A_682 = arith.constant 0 : index
    %swap3A_683 = arith.constant 4 : index
    %swap3A_684 = arith.constant 0 : index
    %swap3A_685 = arith.constant 0 : index
    %swap3A_686 = vector.load %arg9[%swap3A_682, %swap3A_683, %swap3A_684, %swap3A_685] : memref<4x8x42x128xf32, #tpu.memory_space<vmem>>, vector<4x1x42x128xf32>
    %swap3A_687 = vector.shape_cast %swap3A_686 : vector<4x1x42x128xf32> to vector<4x42x128xf32>
    %swap3A_688 = vector.shape_cast %add3A_627 : vector<4x42x128xf32> to vector<4x1x42x128xf32>
    tpu.vector_store %arg9[%swap3A_682, %swap3A_683, %swap3A_684, %swap3A_685], %swap3A_688 {strides = array<i32>} : memref<4x8x42x128xf32, #tpu.memory_space<vmem>>, vector<4x1x42x128xf32>,
    %swap3A_689 = arith.constant 0 : index
    %swap3A_690 = arith.constant 5 : index
    %swap3A_691 = arith.constant 0 : index
    %swap3A_692 = arith.constant 0 : index
    %swap3A_693 = vector.load %arg9[%swap3A_689, %swap3A_690, %swap3A_691, %swap3A_692] : memref<4x8x42x128xf32, #tpu.memory_space<vmem>>, vector<4x1x42x128xf32>
    %swap3A_694 = vector.shape_cast %swap3A_693 : vector<4x1x42x128xf32> to vector<4x42x128xf32>
    %swap3A_695 = vector.shape_cast %mul3A_635 : vector<4x42x128xf32> to vector<4x1x42x128xf32>
    tpu.vector_store %arg9[%swap3A_689, %swap3A_690, %swap3A_691, %swap3A_692], %swap3A_695 {strides = array<i32>} : memref<4x8x42x128xf32, #tpu.memory_space<vmem>>, vector<4x1x42x128xf32>,
    %swap3A_696 = arith.constant 0 : index
    %swap3A_697 = arith.constant 6 : index
    %swap3A_698 = arith.constant 0 : index
    %swap3A_699 = arith.constant 0 : index
    %swap3A_700 = vector.load %arg9[%swap3A_696, %swap3A_697, %swap3A_698, %swap3A_699] : memref<4x8x42x128xf32, #tpu.memory_space<vmem>>, vector<4x1x42x128xf32>
    %swap3A_701 = vector.shape_cast %swap3A_700 : vector<4x1x42x128xf32> to vector<4x42x128xf32>
    %swap3A_702 = vector.shape_cast %select_n3A_581 : vector<4x42x128xf32> to vector<4x1x42x128xf32>
    tpu.vector_store %arg9[%swap3A_696, %swap3A_697, %swap3A_698, %swap3A_699], %swap3A_702 {strides = array<i32>} : memref<4x8x42x128xf32, #tpu.memory_space<vmem>>, vector<4x1x42x128xf32>,
    %broadcast_in_dim3A_703 = arith.constant 0.000000e+00 : f32
    %broadcast_in_dim3A_704 = vector.broadcast %broadcast_in_dim3A_703 : f32 to vector<4x42x128xf32>
    %swap3A_705 = arith.constant 0 : index
    %swap3A_706 = arith.constant 7 : index
    %swap3A_707 = arith.constant 0 : index
    %swap3A_708 = arith.constant 0 : index
    %swap3A_709 = vector.load %arg9[%swap3A_705, %swap3A_706, %swap3A_707, %swap3A_708] : memref<4x8x42x128xf32, #tpu.memory_space<vmem>>, vector<4x1x42x128xf32>
    %swap3A_710 = vector.shape_cast %swap3A_709 : vector<4x1x42x128xf32> to vector<4x42x128xf32>
    %swap3A_711 = vector.shape_cast %broadcast_in_dim3A_704 : vector<4x42x128xf32> to vector<4x1x42x128xf32>
    tpu.vector_store %arg9[%swap3A_705, %swap3A_706, %swap3A_707, %swap3A_708], %swap3A_711 {strides = array<i32>} : memref<4x8x42x128xf32, #tpu.memory_space<vmem>>, vector<4x1x42x128xf32>,
    return
  }
}

</mosaic_0001>

<sc_bundles>
// kernel: kernel.4.cloned.1.call-start
scs
__scs_entry_jumppad:
0x0: {  	(pc) =	sbr.rel $0x88, $3  }
0x1: {  	(tag) =	ssettag $0x0;
	lr =	simm.s32 $0x1  }
0x2: {  	[smem:$0x3F9B] =	sst lr;
	_ =	strace $0xD0000000  }
0x3: {  	_ = 	snop  }
0x4: {  	_ = 	snop  }
0x5: {  	_ = 	snop  }
0x6: {  	_ = 	snop  }
0x7: {  	_ = 	snop  }
__scs_overlays_trampoline_lowered:
0x8: {  	[smem:$0x3FAA] =	sst s0  }
0x9: {  	[smem:$0x3FAB] =	sst s1  }
0xa: {  	[smem:$0x3FAC] =	sst s2  }
0xb: {  	[smem:$0x3FAD] =	sst s3  }
0xc: {  	[smem:$0x3FAE] =	sst s4  }
0xd: {  	[smem:$0x3FAF] =	sst s5  }
0xe: {  	[smem:$0x3FB0] =	sst s6  }
0xf: {  	[smem:$0x3FB1] =	sst s7  }
0x10: {  	[smem:$0x3FB2] =	sst s8  }
0x11: {  	[smem:$0x3FB3] =	sst s9;
	s0 =	simm.s32 @!p0 $0x0  }
0x12: {  	s1 =	sld [smem:$0x3F99];
	s0 =	simm.s32 @p0 $0x1  }
0x13: {  	[smem:$0x3FB4] =	sst s0;
	s0 =	simm.s32 @!p1 $0x0  }
0x14: {  	s2 =	sld [smem:$0x3F98];
	s0 =	simm.s32 @p1 $0x1  }
0x15: {  	[smem:$0x3FB5] =	sst s0;
	s0 =	simm.s32 @!p2 $0x0  }
0x16: {  	s3 =	sld [smem:$0x3FDB];
	s0 =	simm.s32 @p2 $0x1  }
0x17: {  	s4 =	simm.s32 $0x1BF5;
	[smem:$0x3FB7] =	sst s0  }
0x18: {  	s0 =	sld [smem:$0x3F9A];
	_ =	swait.ge [sflag:s4], $0x0  }
0x19: {  	s7 =	sld [smem:$0x3F9B]  }
0x1a: {  	s8 =	sadd.s32 $0xFFFFE003, lr  }
0x1b: {  	s9 =	sadd.s32 $0xFFFFFEF7, lr;
	s5 =	simm.s32 $0xFFFFFFFF;
	p2 =	slt.u32 s8, $0xFFFFF086  }
0x1c: {  	p1 =	slt.u32 s9, $0xF7A;
	s5 =	simm.s32 @!p2 $0x0  }
0x1d: {  	s5 =	simm.s32 @p1 $0x1;
	p0 =	seq.s32 s7, s2  }
0x1e: {  	s7 =	smul.u32 @!p0 $0xF7A, s2;
	p2 =	seq.s32 @!p0 s5, $0x0  }
0x1f: {  	s9 =	smul.u32 $0xF7A, s1;
	s8 =	simm.s32 @!p0 $0x1BF5;
	p2 =	por !p2, p0  }
0x20: {  	[sflag:s8] =	ssyncset.s32 @!p0 $0xFFFFF086;
	s6 =	sadd.s32 @!p0 s3, s7;
	s7 =	simm.s32 @!p0 $0x108  }
0x21: {  	s3 =	sadd.s32 s3, s9;
	s6 =	sadd.s32 @!p0 $0x88, s6;
	s7 =	simm.s32 @p2 $0x1082  }
0x22: {  	[simem:s7], [sflag:s8] =	dma.local @!p0 [hbm:s6], $0xF7A  }
0x23: {  	s9 =	sor.u32 $0xD0000000, s2;
	s6 =	simm.s32 $0x108;
	_ =	swait.ge @!p0 [sflag:s8], $0x0  }
0x24: {  	s3 =	sadd.s32 $0x88, s3;
	s6 =	simm.s32 @!p1 $0x1082;
	[sflag:s4] =	ssyncset.s32 $0xFFFFF086  }
0x25: {  	[simem:s6], [sflag:s4] =	dma.local [hbm:s3], $0xF7A  }
0x26: {  	[smem:$0x3F9B] =	sst s1;
	(tag) =	ssettag s2;
	_ =	strace s9  }
0x27: {  	s1 =	sld [smem:$0x3FAB]  }
0x28: {  	s2 =	sld [smem:$0x3FAC]  }
0x29: {  	s4 =	sld [smem:$0x3FAE]  }
0x2a: {  	p0 =	seq.s32 s5, $0x0;
	s5 =	sld [smem:$0x3FAF]  }
0x2b: {  	s6 =	sld [smem:$0x3FB0]  }
0x2c: {  	s7 =	sld [smem:$0x3FB1]  }
0x2d: {  	s3 =	simm.s32 $0x108;
	s8 =	sld [smem:$0x3FB2]  }
0x2e: {  	s3 =	simm.s32 @!p0 $0x1082;
	s9 =	sld [smem:$0x3FB3]  }
0x2f: {  	lr =	sadd.s32 s0, s3;
	s0 =	sld [smem:$0x3FAA]  }
0x30: {  	s3 =	sld [smem:$0x3FAD]  }
0x31: {  	[smem:$0x3FB6] =	sst s10  }
0x32: {  	s10 =	sld [smem:$0x3FB4];
	_ =	sdelay $0x3  }
0x33: {  	p0 =	seq.s32 s10, $0x1;
	s10 =	sld [smem:$0x3FB6];
	_ =	sdelay $0x3  }
0x34: {  	[smem:$0x3FB6] =	sst s10  }
0x35: {  	s10 =	sld [smem:$0x3FB5];
	_ =	sdelay $0x3  }
0x36: {  	p1 =	seq.s32 s10, $0x1;
	s10 =	sld [smem:$0x3FB6];
	_ =	sdelay $0x3  }
0x37: {  	[smem:$0x3FB6] =	sst s10  }
0x38: {  	s10 =	sld [smem:$0x3FB7]  }
0x39: {  	_ = 	snop;
	(pc) =	sbr.ind lr, $3  }
0x3a: {  	_ = 	snop  }
0x3b: {  	_ = 	snop  }
0x3c: {  	p2 =	seq.s32 s10, $0x1;
	s10 =	sld [smem:$0x3FB6]  }
0x3d: {  	_ =	shalt  }
0x3e: {  	_ =	shalt  }
0x3f: {  	_ =	shalt  }
0x40: {  	_ =	shalt  }
0x41: {  	_ =	shalt  }
0x42: {  	_ =	shalt  }
0x43: {  	_ =	shalt  }
0x44: {  	_ =	shalt  }
0x45: {  	_ =	shalt  }
0x46: {  	_ =	shalt  }
0x47: {  	_ =	shalt  }
0x48: {  	_ =	shalt  }
0x49: {  	_ =	shalt  }
0x4a: {  	_ =	shalt  }
0x4b: {  	_ =	shalt  }
0x4c: {  	_ =	shalt  }
0x4d: {  	_ =	shalt  }
0x4e: {  	_ =	shalt  }
0x4f: {  	_ =	shalt  }
0x50: {  	_ =	shalt  }
0x51: {  	_ =	shalt  }
0x52: {  	_ =	shalt  }
0x53: {  	_ =	shalt  }
0x54: {  	_ =	shalt  }
0x55: {  	_ =	shalt  }
0x56: {  	_ =	shalt  }
0x57: {  	_ =	shalt  }
0x58: {  	_ =	shalt  }
0x59: {  	_ =	shalt  }
0x5a: {  	_ =	shalt  }
0x5b: {  	_ =	shalt  }
0x5c: {  	_ =	shalt  }
0x5d: {  	_ =	shalt  }
0x5e: {  	_ =	shalt  }
0x5f: {  	_ =	shalt  }
0x60: {  	_ =	shalt  }
0x61: {  	_ =	shalt  }
0x62: {  	_ =	shalt  }
0x63: {  	_ =	shalt  }
0x64: {  	_ =	shalt  }
0x65: {  	_ =	shalt  }
0x66: {  	_ =	shalt  }
0x67: {  	_ =	shalt  }
0x68: {  	_ =	shalt  }
0x69: {  	_ =	shalt  }
0x6a: {  	_ =	shalt  }
0x6b: {  	_ =	shalt  }
0x6c: {  	_ =	shalt  }
0x6d: {  	_ =	shalt  }
0x6e: {  	_ =	shalt  }
0x6f: {  	_ =	shalt  }
0x70: {  	_ =	shalt  }
0x71: {  	_ =	shalt  }
0x72: {  	_ =	shalt  }
0x73: {  	_ =	shalt  }
0x74: {  	_ =	shalt  }
0x75: {  	_ =	shalt  }
0x76: {  	_ =	shalt  }
0x77: {  	_ =	shalt  }
0x78: {  	_ =	shalt  }
0x79: {  	_ =	shalt  }
0x7a: {  	_ =	shalt  }
0x7b: {  	_ =	shalt  }
0x7c: {  	_ =	shalt  }
0x7d: {  	_ =	shalt  }
0x7e: {  	_ =	shalt  }
0x7f: {  	_ =	shalt  }
0x80: {  	_ =	shalt  }
0x81: {  	_ =	shalt  }
0x82: {  	_ =	shalt  }
0x83: {  	_ =	shalt  }
0x84: {  	_ =	shalt  }
0x85: {  	_ =	shalt  }
0x86: {  	_ =	shalt  }
0x87: {  	_ =	shalt  }
.Lfunc_end0:
.L_simem_size_0:
called_computation_lowered:
.L_overlay_start_0:
0x88: {  	s2 =	sld [smem:$0x3FD9]  }
0x89: {  	s3 =	sld [smem:$0x3FFE];
	_ =	sdelay $0x1  }
0x8a: {  	s1 =	srdreg.scid  }
0x8b: {  	s0 =	sand.u32 $0x1, s1  }
0x8c: {  	s17 =	sshll.u32 s0, $0xA;
	s2 =	sadd.s32 s3, s2  }
0x8d: {  	s2 =	sadd.s32 s2, s17  }
0x8e: {  	[smem:$0x3FC2] =	sst s2  }
0x8f: {  	_ = 	snop  }
0x90: {  	s2 =	sld [smem:$0x3FD0];
	(tm) =	ssettm $0x1  }
0x91: {  	s18 =	sld [smem:$0x3FFB];
	_ =	sdelay $0x3  }
0x92: {  	_ =	strace s18  }
0x93: {  	s3 =	sld [smem:$0x3FFC];
	_ =	sdelay $0x3  }
0x94: {  	_ =	strace s3  }
0x95: {  	s3 =	sld [smem:$0x3FFD];
	_ =	sdelay $0x3  }
0x96: {  	_ =	strace s3  }
0x97: {  	_ =	strace $0x8FFFFFFF  }
0x98: {  	s19 =	sld [smem:$0x3FDB];
	_ =	sdelay $0x1  }
0x99: {  	s4 =	simm.s32 $_scs_section_size  }
0x9a: {  	s5 =	simm.s32 $_size__tile_overlayer_lowered;
	s6 =	simm.s32 $_tile_overlayer_lowered  }
0x9b: {  	s22 =	simm.s32 $0x1BFF;
	s21 =	sshll.u32 s6, $0x1;
	s3 =	sadd.s32 s4, s19  }
0x9c: {  	s7 =	simm.s32 $0x0;
	s20 =	sshll.u32 s5, $0x1;
	s5 =	sadd.s32 s21, s3  }
0x9d: {  	[timem:s7], [sflag:s22] =	dma.local [hbm:s5], s20  }
0x9e: {  	_ =	swait.ge [sflag:s22], s20  }
0x9f: {  	s4 =	ssub.s32 $0x0, s20;
	[sflag:s22] =	ssyncset.done $0x0  }
0xa0: {  	[sflag:s22] =	ssyncadd.s32 s4;
	_ =	sdelay $0x1  }
0xa1: {  	s23 =	simm.s32 $0x1B8B  }
0xa2: {  	_ =	swait.ge [sflag:s23], $0x1  }
0xa3: {  	[sflag:s23] =	ssyncset.done $0x0  }
0xa4: {  	s25 =	simm.s32 $0x1B8E;
	s24 =	sld [smem:$0x3FFE];
	[sflag:s23] =	ssyncadd.s32 $0xFFFFFFFF  }
0xa5: {  	s26 =	simm.s32 $execute0_lowered;
	[smem:$0x3FD2] =	sst s25  }
0xa6: {  	s5 =	sshll.u32 s26, $0x1;
	_ =	strace $0x80000046;
	[dreg:$0x1] =	wrdreg $0xFFFFFFFF  }
0xa7: {  	s28 =	simm.s32 $_size_execute0_lowered;
	s3 =	sadd.s32 s3, s5;
	[dreg:$0x0] =	wrdreg $0x0  }
0xa8: {  	s5 =	sshll.u32 s28, $0x1;
	[dreg:$0x2] =	wrdreg s3  }
0xa9: {  	[dreg:$0x3] =	wrdreg s5  }
0xaa: {  	[dreg:$0x4] =	wrdreg $0xC0  }
0xab: {  	_ =	task [dreg:s7], $0x5FFFF  }
0xac: {  	[dreg:$0x1] =	wrdreg $0xFFFFFFFF  }
0xad: {  	[dreg:$0x0] =	wrdreg $0x60  }
0xae: {  	[dreg:$0x2] =	wrdreg s24  }
0xaf: {  	[dreg:$0x3] =	wrdreg s2  }
0xb0: {  	[dreg:$0x4] =	wrdreg $0x9  }
0xb1: {  	_ =	task.clear_ibuf [dreg:s7], $0x5FFFF;
	_ =	strace $0x90000046  }
0xb2: {  	s29 =	simm.s32 $0x9;
	_ =	strace $0x80000048  }
0xb3: {  	_ =	swait.ge [sflag:s29], $0x1  }
0xb4: {  	[sflag:s29] =	ssyncadd.s32 $0xFFFFFFFF  }
0xb5: {  	_ =	strace $0x90000048  }
0xb6: {  	_ =	sfence  }
0xb7: {  	s30 =	sld [smem:$0x0];
	_ =	sdelay $0x2  }
0xb8: {  	s31 =	sshll.u32 s1, $0xD;
	s1 =	sshrl.u32 s1, $0x2  }
0xb9: {  	s3 =	sand.u32 $0x4000, s31;
	s1 =	sadd.s32 s1, s30  }
0xba: {  	s0 =	sor.u32 s3, s0;
	s1 =	sshll.u32 s1, $0x11  }
0xbb: {  	s0 =	sor.u32 s1, s0  }
0xbc: {  	s0 =	sadd.s32 $0x8F2B, s0  }
0xbd: {  	[sflag:s0] =	ssyncadd.remote.s32 $0x1  }
0xbe: {  	_ =	sfence.sel $0xFFFF  }
0xbf: {  	[dreg:$0x0] =	wrdreg $0xFFFFFFFF;
	(pc) =	sbr.abs _section_cstart, $3  }
0xc0: {  	[dreg:$0x1] =	wrdreg $0xFFFFFFFF  }
0xc1: {  	_ =	task.clear_ibuf [dreg:s7], $0x2FFFF;
	_ =	strace $0x9FFFFFFF  }
0xc2: {  	(tm) =	ssettm $0x7FFFFFFF  }
0xc3: {  	_ =	shalt  }
tec
execute0_lowered:
.L_overlay_start_1:
0x0: {  	(tag) =	ssettag $0x1  }
0x1: {  	s1 =	stileid.u32  }
0x2: {  	p0 =	sgt.u32 s1, $0x1  }
.Ltmp0:
0x3: {  	_ = 	snop;
	(pc) =	sbr.rel @p0 .LBB2_24-.Ltmp0, $4  }
0x4: {  	s4 =	rddreg [dreg:$0x0]  }
0x5: {  	s3 =	rddreg [dreg:$0x1];
	s2 =	simm.s32 $0x0  }
0x6: {  	[smem:$0x7FF] =	sst s2  }
0x7: {  	s0 =	rddreg [dreg:$0x2];
	_ =	strace $0x80000047  }
0x8: {  	v1 =	vimm.s32 $0x300;
	vm0 =	vcmask $0x300  }
0x9: {  	v0 =	vimm.f32 $0.0e+00;
	v3 =	vimm.s32 $0x55543210;
	vm1 =	vcmask $0x1714  }
0xa: {  	s5 =	srdreg.scid;
	vm2 =	vcmask $0x3F10;
	vm3 =	vcmask $0x3F0C;
	vm6 =	vcmask $0x1F00  }
0xb: {  	s6 =	sshll.u32 s1, $0x1;
	s4 =	sadd.s32 $0xA00, s4;
	vm4 =	vcmask $0x3F08;
	v2 =	vsel vm0, $0x0, v1;
	vm0 =	vcmask $0x704;
	s5 =	sand.u32 $0x1, s5  }
.Ltmp1:
0xc: {  	s9 =	simm.s32 $0x80;
	v5 =	vunpack.c.l.s4.s8 v3;
	v2 =	vsel vm0, $0x80, v2;
	vm0 =	vcmask $0xB08;
	s6 =	sor.u32 s5, s6;
	(pc) =	sbr.rel .LBB2_2-.Ltmp1, $4  }
0xd: {  	vm5 =	vcmask $0x3F04;
	s5 =	ssub.s32 $0x2, s5;
	v2 =	vsel vm0, $0x100, v2;
	vm0 =	vcmask $0xF0C;
	s7 =	smul.u32 $0x1500, s6;
	s6 =	sshll.u32 s6, $0x4  }
0xe: {  	s10 =	simm.s32 $0x200;
	s8 =	sshrl.u32 s5, $0x1;
	v5 =	vunpack.c.0.s8.s32 v5;
	v4 =	vsel vm0, $0x180, v2;
	vm0 =	vcmask $0x1310;
	s3 =	sadd.s32 s3, s6  }
0xf: {  	v1 =	vimm.s32 $0x0;
	v3 =	vimm.f32 $-2.000000000e+00;
	s5 =	ssub.s32 s5, s8;
	s6 =	simm.s32 $0x1;
	s8 =	simm.s32 $0xCC00;
	v4 =	vsel vm0, $0x200, v4  }
0x10: {  	v2 =	vlaneseq.u32;
	s4 =	sadd.s32 s4, s7;
	s5 =	smax.u32 s5, $0x1;
	s7 =	simm.s32 $0xA800;
	v5 =	vnsel vm6, $0x5, v5;
	v4 =	vsel vm1, $0x280, v4  }
.LBB2_23:
0x11: {  	s2 =	sadd.s32 $0x1, s2  }
0x12: {  	p0 =	sne.s32 s2, s5  }
.Ltmp2:
0x13: {  	_ = 	snop;
	(pc) =	sbr.rel @!p0 .LBB2_24-.Ltmp2, $4  }
0x14: {  	[hbm4b:s3+s9] =	stream.strided.scatter [tilespmem:s8], [sflag:$0x1], $0x280, s10, s9, $0x38;
	[tilespmem:$0xCE80] =	vst v63  }
0x15: {  	_ =	swait.ge [sflag:s6], $0x280  }
0x16: {  	[sflag:s6] =	ssyncset.done $0x0  }
0x17: {  	[sflag:s6] =	ssyncadd.s32 $0xFFFFFD80  }
.LBB2_2:
0x18: {  	s11 =	simm.s32 $0x0  }
0x19: {  	[tilespmem:s11], [sflag:$0x1] =	stream.linear.gather [hbm4b:s4+s11], $0xA800, $0x38;
	[tilespmem:$0xCE80] =	vst v63  }
0x1a: {  	_ =	swait.ge [sflag:s6], $0xA800  }
0x1b: {  	[sflag:s6] =	ssyncset.done $0x0  }
0x1c: {  	[sflag:s6] =	ssyncadd.s32 $0xFFFF5800  }
0x1d: {  	[tilespmem:$0xCC00] =	vst v0  }
0x1e: {  	[tilespmem:$0xCC10] =	vst v0  }
0x1f: {  	[tilespmem:$0xCC20] =	vst v0  }
0x20: {  	[tilespmem:$0xCC30] =	vst v0  }
0x21: {  	[tilespmem:$0xCC40] =	vst v0  }
0x22: {  	[tilespmem:$0xCC50] =	vst v0  }
0x23: {  	[tilespmem:$0xCC60] =	vst v0  }
0x24: {  	[tilespmem:$0xCC70] =	vst v0  }
0x25: {  	[tilespmem:$0xCC80] =	vst v0  }
0x26: {  	[tilespmem:$0xCC90] =	vst v0  }
0x27: {  	[tilespmem:$0xCCA0] =	vst v0  }
0x28: {  	[tilespmem:$0xCCB0] =	vst v0  }
0x29: {  	[tilespmem:$0xCCC0] =	vst v0  }
0x2a: {  	[tilespmem:$0xCCD0] =	vst v0  }
0x2b: {  	[tilespmem:$0xCCE0] =	vst v0  }
0x2c: {  	[tilespmem:$0xCCF0] =	vst v0  }
0x2d: {  	[tilespmem:$0xCD00] =	vst v0  }
0x2e: {  	[tilespmem:$0xCD10] =	vst v0  }
0x2f: {  	[tilespmem:$0xCD20] =	vst v0  }
0x30: {  	[tilespmem:$0xCD30] =	vst v0  }
0x31: {  	[tilespmem:$0xCD40] =	vst v0  }
0x32: {  	[tilespmem:$0xCD50] =	vst v0  }
0x33: {  	[tilespmem:$0xCD60] =	vst v0  }
0x34: {  	[tilespmem:$0xCD70] =	vst v0  }
0x35: {  	[tilespmem:$0xCD80] =	vst v0  }
0x36: {  	[tilespmem:$0xCD90] =	vst v0  }
0x37: {  	[tilespmem:$0xCDA0] =	vst v0  }
0x38: {  	[tilespmem:$0xCDB0] =	vst v0  }
0x39: {  	[tilespmem:$0xCDC0] =	vst v0  }
0x3a: {  	[tilespmem:$0xCDD0] =	vst v0  }
0x3b: {  	[tilespmem:$0xCDE0] =	vst v0  }
0x3c: {  	[tilespmem:$0xCDF0] =	vst v0  }
0x3d: {  	[tilespmem:$0xCE00] =	vst v0  }
0x3e: {  	[tilespmem:$0xCE10] =	vst v0  }
0x3f: {  	[tilespmem:$0xCE20] =	vst v0  }
0x40: {  	[tilespmem:$0xCE30] =	vst v0  }
0x41: {  	[tilespmem:$0xCE40] =	vst v0  }
0x42: {  	[tilespmem:$0xCE50] =	vst v0  }
0x43: {  	s12 =	sand.u32 $0x70, s11;
	s11 =	sand.u32 $0xFC00, s11;
	[tilespmem:$0xCE60] =	vst v0  }
0x44: {  	s13 =	sor.u32 s12, s11;
	[tilespmem:$0xCE70] =	vst v0  }
0x45: {  	v8 =	vld [tilespmem:s13+$0x0];
	_ =	sdelay $0x4  }
0x46: {  	vm6 =	vgt.f32 v8, $-1.000000000e+00  }
0x47: {  	v6 =	vsel vm6, $0x1, v1  }
0x48: {  	(xrf0) =	vadd.scan.msk.s32 $0xffff, v6;
	_ =	sdelay $0x5  }
0x49: {  	v6, _, _ =	vpop (xrf0)  }
0x4a: {  	v6 =	vadd.s32 v6, v1  }
0x4b: {  	v6 =	vadd.s32 $0xFFFFFFFF, v6  }
0x4c: {  	vm7 =	vlt.s32 v6, $0x40F  }
0x4d: {  	v6 =	vnsel vm7, $0x40F, v6  }
0x4e: {  	v7 =	vshll.u32 v6, $0x3  }
0x4f: {  	v9 =	vand.u32 $0x7F, v6;
	v7 =	vand.u32 $0xFFFFFC00, v7  }
0x50: {  	v9 =	vor.u32 v9, v7;
	_ =	sdelay $0x4  }
0x51: {  	[tilespmem:v9+s7+$0x0] =	vst.idx.msk vm6, v8  }
0x52: {  	v10 =	vor.u32 $0x80, v9;
	v7 =	vld [tilespmem:s13+$0x80];
	_ =	sdelay $0x4  }
0x53: {  	[tilespmem:v10+s7+$0x0] =	vst.idx.msk vm6, v7  }
0x54: {  	v10 =	vor.u32 $0x100, v9;
	v7 =	vld [tilespmem:s13+$0x100];
	_ =	sdelay $0x4  }
0x55: {  	[tilespmem:v10+s7+$0x0] =	vst.idx.msk vm6, v7  }
0x56: {  	v10 =	vor.u32 $0x180, v9;
	v7 =	vld [tilespmem:s13+$0x180];
	_ =	sdelay $0x4  }
0x57: {  	[tilespmem:v10+s7+$0x0] =	vst.idx.msk vm6, v7  }
0x58: {  	v10 =	vor.u32 $0x200, v9;
	v7 =	vld [tilespmem:s13+$0x200];
	_ =	sdelay $0x4  }
0x59: {  	[tilespmem:v10+s7+$0x0] =	vst.idx.msk vm6, v7  }
0x5a: {  	v10 =	vor.u32 $0x280, v9;
	v7 =	vld [tilespmem:s13+$0x280];
	_ =	sdelay $0x1  }
0x5b: {  	v11 =	vmpcnt.ones.xlane vm6;
	_ =	sdelay $0x1  }
0x5c: {  	v11 =	vadd.s32 v1, v11  }
0x5d: {  	vm8 =	vlt.s32 v11, $0x400;
	[tilespmem:v10+s7+$0x0] =	vst.idx.msk vm6, v7  }
0x5e: {  	v12 =	vimm.f32 $-3.399999950e+38;
	v7 =	vnsel vm8, $0x400, v11;
	v11 =	vor.u32 $0x300, v9;
	v10 =	vld [tilespmem:s13+$0x300]  }
0x5f: {  	vm7 =	vgt.f32 v8, v12  }
0x60: {  	s14 =	simm.s32 $0x10;
	s11 =	simm.s32 $0x80;
	vm7 =	vmand vm6, vm7  }
0x61: {  	s12 =	simm.s32 $0x20;
	v6 =	vsel vm7, v6, v1;
	v8 =	vsel vm7, v8, v12;
	s13 =	sand.u32 $0x70, s14;
	s14 =	sand.u32 $0xFC00, s11;
	v9 =	vmov v7  }
.LBB2_3:
0x62: {  	p0 =	sne.s32 s12, $0x14F0  }
0x63: {  	s14 =	sor.u32 s13, s14;
	[tilespmem:v11+s7+$0x0] =	vst.idx.msk vm6, v10;
	s13 =	smov.u32 s12;
	s12 =	sadd.s32 $0x10, s12  }
0x64: {  	v10 =	vld [tilespmem:s14+$0x0];
	_ =	sdelay $0x4  }
0x65: {  	vm6 =	vgt.f32 v10, $-1.000000000e+00;
	vm7 =	vgt.f32 v10, v8  }
0x66: {  	v11 =	vsel vm6, $0x1, v1;
	v12 =	vmpcnt.ones.xlane vm6  }
0x67: {  	(xrf0) =	vadd.scan.msk.s32 $0xffff, v11  }
0x68: {  	v7 =	vadd.s32 v7, v12  }
0x69: {  	vm8 =	vlt.s32 v7, $0x400  }
0x6a: {  	v7 =	vnsel vm8, $0x400, v7;
	_ =	sdelay $0x2  }
0x6b: {  	v11, _, _ =	vpop (xrf0)  }
0x6c: {  	v11 =	vadd.s32 v11, v9;
	v9 =	vmov v7  }
0x6d: {  	v11 =	vadd.s32 $0xFFFFFFFF, v11  }
0x6e: {  	vm8 =	vlt.s32 v11, $0x40F  }
0x6f: {  	vm7 =	vmand vm6, vm7;
	v11 =	vnsel vm8, $0x40F, v11  }
0x70: {  	v8 =	vsel vm7, v10, v8;
	v12 =	vshll.u32 v11, $0x3;
	v6 =	vsel vm7, v11, v6  }
0x71: {  	v11 =	vand.u32 $0x7F, v11;
	v12 =	vand.u32 $0xFFFFFC00, v12  }
0x72: {  	v11 =	vor.u32 v11, v12;
	_ =	sdelay $0x4  }
0x73: {  	[tilespmem:v11+s7+$0x0] =	vst.idx.msk vm6, v10  }
0x74: {  	v12 =	vor.u32 $0x80, v11;
	v10 =	vld [tilespmem:s14+$0x80];
	_ =	sdelay $0x4  }
0x75: {  	[tilespmem:v12+s7+$0x0] =	vst.idx.msk vm6, v10  }
0x76: {  	v12 =	vor.u32 $0x100, v11;
	v10 =	vld [tilespmem:s14+$0x100];
	_ =	sdelay $0x4  }
0x77: {  	[tilespmem:v12+s7+$0x0] =	vst.idx.msk vm6, v10  }
0x78: {  	v12 =	vor.u32 $0x180, v11;
	v10 =	vld [tilespmem:s14+$0x180];
	_ =	sdelay $0x4  }
0x79: {  	[tilespmem:v12+s7+$0x0] =	vst.idx.msk vm6, v10  }
0x7a: {  	v12 =	vor.u32 $0x200, v11;
	v10 =	vld [tilespmem:s14+$0x200];
	_ =	sdelay $0x4  }
0x7b: {  	[tilespmem:v12+s7+$0x0] =	vst.idx.msk vm6, v10  }
0x7c: {  	v12 =	vor.u32 $0x280, v11;
	v10 =	vld [tilespmem:s14+$0x280];
	_ =	sdelay $0x4  }
0x7d: {  	[tilespmem:v12+s7+$0x0] =	vst.idx.msk vm6, v10  }
.Ltmp3:
0x7e: {  	v11 =	vor.u32 $0x300, v11;
	v10 =	vld [tilespmem:s14+$0x300];
	(pc) =	sbr.rel @p0 .LBB2_3-.Ltmp3, $3  }
0x7f: {  	_ =	sdelay $0x1  }
0x80: {  	s11 =	sadd.s32 $0x80, s11  }
0x81: {  	s13 =	sand.u32 $0x70, s13;
	s14 =	sand.u32 $0xFC00, s11  }
0x82: {  	_ =	sdelay $0x4  }
0x83: {  	s11 =	sor.u32 s13, s14;
	[tilespmem:v11+s7+$0x0] =	vst.idx.msk vm6, v10  }
0x84: {  	v10 =	vld [tilespmem:s11+$0x0];
	_ =	sdelay $0x4  }
0x85: {  	vm6 =	vgt.f32 v10, $-1.000000000e+00  }
0x86: {  	v51 =	vsel vm6, $0x1, v1  }
0x87: {  	(xrf0) =	vadd.scan.msk.s32 $0xffff, v51;
	_ =	sdelay $0x5  }
0x88: {  	v11, _, _ =	vpop (xrf0)  }
0x89: {  	v9 =	vadd.s32 v11, v9  }
0x8a: {  	v9 =	vadd.s32 $0xFFFFFFFF, v9  }
0x8b: {  	vm7 =	vlt.s32 v9, $0x40F  }
0x8c: {  	v9 =	vnsel vm7, $0x40F, v9  }
0x8d: {  	v52 =	vshll.u32 v9, $0x3  }
0x8e: {  	v12 =	vand.u32 $0x7F, v9;
	v11 =	vand.u32 $0xFFFFFC00, v52  }
0x8f: {  	v11 =	vor.u32 v12, v11;
	_ =	sdelay $0x4  }
0x90: {  	[tilespmem:v11+s7+$0x0] =	vst.idx.msk vm6, v10  }
0x91: {  	vm7 =	vgt.f32 v10, v8;
	v13 =	vor.u32 $0x80, v11;
	v53 =	vld [tilespmem:s11+$0x80]  }
0x92: {  	vm7 =	vmand vm6, vm7  }
0x93: {  	v54 =	vsel vm7, v10, v8  }
0x94: {  	(xrf0) =	vmax.scan.msk.f32 $0xffff, v54;
	_ =	sdelay $0x1  }
0x95: {  	[tilespmem:v13+s7+$0x0] =	vst.idx.msk vm6, v53  }
0x96: {  	v56 =	vor.u32 $0x100, v11;
	v55 =	vld [tilespmem:s11+$0x100];
	_ =	sdelay $0x1  }
0x97: {  	v57 =	vmpcnt.ones.xlane vm6  }
0x98: {  	v14, _, _ =	vpop (xrf0)  }
0x99: {  	v7 =	vadd.s32 v7, v57;
	v6 =	vsel vm7, v9, v6;
	v15 =	vbroadcast v14, $0xF  }
0x9a: {  	vm7 =	vlt.s32 v7, $0x400;
	v6 =	vxor.u32 $0x80000000, v6;
	[tilespmem:v56+s7+$0x0] =	vst.idx.msk vm6, v55  }
0x9b: {  	v7 =	vnsel vm7, $0x400, v7;
	v59 =	vor.u32 $0x180, v11;
	vm8 =	veq.f32 v54, v15;
	v58 =	vld [tilespmem:s11+$0x180]  }
0x9c: {  	(v2sf) =	vpush v7, $0x0;
	v6 =	vnsel vm8, $0xC0000000, v6  }
0x9d: {  	(xrf0) =	vmin.scan.msk.u32 $0xffff, v6;
	_ =	sdelay $0x2  }
0x9e: {  	[tilespmem:v59+s7+$0x0] =	vst.idx.msk vm6, v58  }
0x9f: {  	v60 =	vor.u32 $0x200, v11;
	v6 =	vld [tilespmem:s11+$0x200];
	_ =	sdelay $0x1  }
0xa0: {  	(v2sf) =	vpush v14, $0xF;
	v61, _, _ =	vpop (xrf0)  }
0xa1: {  	(v2sf) =	vpush v61, $0xF;
	_ =	sdelay $0x1  }
0xa2: {  	[tilespmem:v60+s7+$0x0] =	vst.idx.msk vm6, v6  }
0xa3: {  	v62 =	vor.u32 $0x280, v11;
	v6 =	vld [tilespmem:s11+$0x280];
	_ =	sdelay $0x1  }
0xa4: {  	v7 =	vbroadcast v7, $0x0;
	_ =	sdelay $0x1  }
0xa5: {  	v7 =	vadd.s32 v2, v7;
	s12 =	spop (v2sf)  }
0xa6: {  	s12 =	sadd.s32 $0xF, s12;
	[tilespmem:v62+s7+$0x0] =	vst.idx.msk vm6, v6;
	v6 =	vshll.u32 v7, $0x3  }
0xa7: {  	v63 =	vor.u32 $0x300, v11;
	s29 =	sand.u32 $0xF, s12;
	v7 =	vand.u32 $0x7F, v7;
	v8 =	vld [tilespmem:s11+$0x300];
	v6 =	vand.u32 $0xFFFFFC00, v6  }
0xa8: {  	s30 =	sshra.s32 s12, $0x1F;
	p0 =	slt.s32 s12, $0x1;
	p1 =	sne.s32 s29, $0x0;
	v6 =	vor.u32 v7, v6  }
.Ltmp4:
0xa9: {  	s31 =	sshrl.u32 s30, $0x1C;
	p0 =	por !p0, !p1;
	(pc) =	sbr.rel .LBB2_5-.Ltmp4, $4  }
0xaa: {  	p0 =	por !p0, !p0;
	s11 =	sadd.s32 s31, s12;
	s12 =	simm.s32 $0x1  }
0xab: {  	s11 =	sshra.s32 s11, $0x4;
	s12 =	simm.s32 @!p0 $0x0  }
0xac: {  	s13 =	simm.s32 $0x0;
	s14 =	spop (v2sf);
	s11 =	ssub.s32 s11, s12;
	[tilespmem:v63+s7+$0x0] =	vst.idx.msk vm6, v8  }
0xad: {  	s15 =	spop (v2sf);
	s12 =	simm.s32 $0x0;
	p0 =	slt.s32 s11, $0x1;
	[tilespmem:v6+s7+$0x0] =	vst.idx.msk $0xffff, v3  }
.LBB2_7:
0xae: {  	v6 =	vimm.s32 $0x80000000;
	v7 =	vimm.f32 $-3.399999950e+38  }
.LBB2_21:
0xaf: {  	(xrf0) =	vmax.scan.msk.f32 $0xffff, v7;
	_ =	sdelay $0x5  }
0xb0: {  	v8, _, _ =	vpop (xrf0)  }
0xb1: {  	v9 =	vbroadcast v8, $0xF;
	_ =	sdelay $0x1  }
0xb2: {  	vm6 =	veq.f32 v7, v9  }
0xb3: {  	v6 =	vnsel vm6, $0xC0000000, v6  }
0xb4: {  	(xrf0) =	vmin.scan.msk.u32 $0xffff, v6;
	_ =	sdelay $0x5  }
0xb5: {  	(v2sf) =	vpush v8, $0xF;
	v6, _, _ =	vpop (xrf0)  }
0xb6: {  	(v2sf) =	vpush v6, $0xF;
	_ =	sdelay $0xd  }
0xb7: {  	s14 =	spop (v2sf)  }
0xb8: {  	s12 =	sadd.s32 $0x1, s12;
	s15 =	spop (v2sf)  }
.LBB2_22:
0xb9: {  	s13 =	sadd.s32 $0x1, s13  }
0xba: {  	p1 =	sne.s32 s13, $0x64  }
.Ltmp5:
0xbb: {  	_ = 	snop;
	(pc) =	sbr.rel @!p1 .LBB2_23-.Ltmp5, $1  }
0xbc: {  	_ =	sdelay $0x3  }
.LBB2_5:
0xbd: {  	p1 =	sgt.f32 s14, $5.000000070e-02  }
.Ltmp6:
0xbe: {  	_ = 	snop;
	(pc) =	sbr.rel @!p1 .LBB2_22-.Ltmp6, $1  }
0xbf: {  	_ =	sdelay $0x3  }
0xc0: {  	v6 =	vmov s15  }
0xc1: {  	v7 =	vshll.u32 v6, $0x3  }
0xc2: {  	v6 =	vand.u32 $0x7F, v6;
	v7 =	vand.u32 $0xFFFFFC00, v7  }
0xc3: {  	v6 =	vor.u32 v7, v6  }
0xc4: {  	v6 =	vor.u32 v4, v6;
	_ =	sdelay $0x4  }
0xc5: {  	v6 =	vld.idx.msk [tilespmem:v6+s7+$0x0], $0xffff;
	_ =	sdelay $0x4  }
0xc6: {  	s31 =	smul.u32 $0x6, s12;
	v7 =	vmov s14;
	v9 =	vbroadcast v6, $0x6  }
0xc7: {  	v7 =	vnsel vm1, $0x0, v7;
	v8 =	vbroadcast v6, $0x4  }
0xc8: {  	v12 =	vbroadcast v6, $0x3;
	v7 =	vsel vm0, v9, v7;
	v9 =	vadd.s32 s31, v5  }
.Ltmp7:
0xc9: {  	v11 =	vbroadcast v6, $0x2;
	v7 =	vsel vm2, v7, v8;
	(pc) =	sbr.rel @p0 .LBB2_7-.Ltmp7, $4  }
0xca: {  	v13 =	vbroadcast v6, $0x1;
	v7 =	vsel vm3, v7, v12  }
0xcb: {  	v7 =	vsel vm4, v7, v11  }
0xcc: {  	v7 =	vsel vm5, v7, v13  }
0xcd: {  	[tilespmem:v9+s8+$0x0] =	vst.idx.msk $0x3f, v7  }
0xce: {  	p5 =	sne.s32 s11, $0x1  }
.Ltmp8:
0xcf: {  	_ = 	snop;
	(pc) =	sbr.rel @!p5 .LBB2_9-.Ltmp8, $4  }
0xd0: {  	s16 =	simm.s32 $0x0  }
0xd1: {  	s14 =	sand.u32 $0x70, s16;
	s15 =	sand.u32 $0xFFFFFC00, s16  }
0xd2: {  	v9 =	vbroadcast v6, $0x5;
	p1 =	por $0x0, $0x0;
	p2 =	por $0x0, $0x0;
	s15 =	sor.u32 s14, s15  }
0xd3: {  	v7 =	vimm.f32 $-3.399999950e+38;
	v6 =	vimm.s32 $0x0;
	p3 =	por $0x0, $0x0;
	p4 =	por $0x0, $0x0;
	v14 =	vor.u32 s16, v2;
	s14 =	sadd.s32 $0xFFFFFFFF, s11;
	v16 =	vld [tilespmem:s15+$0xA880]  }
0xd4: {  	v10 =	vld [tilespmem:s15+$0xA980];
	p5 =	sne.s32 s14, $0x1  }
.Ltmp9:
0xd5: {  	_ = 	snop;
	(pc) =	sbr.rel @!p5 .LBB2_11-.Ltmp9, $4  }
0xd6: {  	v33 =	vld [tilespmem:s15+$0xA900];
	s16 =	simm.s32 $0x80;
	s17 =	simm.s32 $0x10  }
0xd7: {  	v18 =	vld [tilespmem:s15+$0xAA00];
	s18 =	sand.u32 $0x70, s17;
	s16 =	sand.u32 $0xFFFFFC00, s16  }
0xd8: {  	v17 =	vld [tilespmem:s15+$0xAA80];
	s16 =	sor.u32 s18, s16  }
0xd9: {  	s14 =	sadd.s32 $0xFFFFFFFF, s14;
	p1 =	por $0x1, $0x1;
	v15 =	vor.u32 s17, v2;
	v25 =	vmax.f32 v13, v16;
	v16 =	vld [tilespmem:s16+$0xA880];
	v29 =	vmin.f32 v12, v10  }
0xda: {  	_ =	sdelay $0x1  }
0xdb: {  	v10 =	vmax.f32 v11, v33;
	v18 =	vmin.f32 v8, v18  }
0xdc: {  	v19 =	vsub.f32 v29, v25;
	v21 =	vld [tilespmem:s16+$0xA980];
	p5 =	sne.s32 s14, $0x1;
	v10 =	vsub.f32 v18, v10  }
.Ltmp10:
0xdd: {  	s17 =	simm.s32 $0x100;
	s18 =	simm.s32 $0x20;
	(pc) =	sbr.rel @!p5 .LBB2_13-.Ltmp10, $4  }
0xde: {  	v33 =	vld [tilespmem:s16+$0xA900];
	s19 =	sand.u32 $0x70, s18;
	s17 =	sand.u32 $0xFFFFFC00, s17;
	v19 =	vmax.f32 v19, $0.0e+00;
	v10 =	vmax.f32 v10, $0.0e+00  }
0xdf: {  	s17 =	sor.u32 s19, s17;
	v18 =	vld [tilespmem:s16+$0xAA00];
	v20 =	vmul.f32 v10, v19;
	v19 =	vadd.f32 v17, v9  }
0xe0: {  	v25 =	vmax.f32 v13, v16;
	v16 =	vld [tilespmem:s17+$0xA880]  }
0xe1: {  	s14 =	sadd.s32 $0xFFFFFFFF, s14;
	p2 =	por $0x1, $0x1;
	v29 =	vmin.f32 v12, v21;
	v17 =	vld [tilespmem:s16+$0xAA80];
	v10 =	vor.u32 s18, v2;
	v31 =	vsub.f32 v19, v20  }
0xe2: {  	_ =	sdelay $0x1  }
0xe3: {  	v19 =	vmax.f32 v11, v33;
	v18 =	vmin.f32 v8, v18  }
0xe4: {  	v21 =	vsub.f32 v29, v25;
	v22 =	vld [tilespmem:s17+$0xA980];
	s18 =	simm.s32 $0x180;
	s20 =	simm.s32 $0x30;
	p5 =	sne.s32 s14, $0x1;
	v18 =	vsub.f32 v18, v19  }
.Ltmp11:
0xe5: {  	s19 =	sand.u32 $0x70, s20;
	s18 =	sand.u32 $0xFFFFFC00, s18;
	(pc) =	sbr.rel @!p5 .LBB2_15-.Ltmp11, $4  }
0xe6: {  	v33 =	vld [tilespmem:s17+$0xA900];
	v23 =	vadd.f32 $9.999999710e-10, v31;
	s19 =	sor.u32 s19, s18;
	v19 =	vmax.f32 v21, $0.0e+00;
	v21 =	vmax.f32 v18, $0.0e+00  }
0xe7: {  	v25 =	vmax.f32 v13, v16;
	v16 =	vld [tilespmem:s19+$0xA880];
	v19 =	vmul.f32 v21, v19;
	v21 =	vadd.f32 v17, v9  }
0xe8: {  	v35 =	vor.u32 s20, v2;
	v18 =	vld [tilespmem:s17+$0xAA00]  }
0xe9: {  	p3 =	por $0x1, $0x1;
	s18 =	sadd.s32 $0xFFFFFFFF, s14;
	(erf) = vrcp.f32 v23;
	v29 =	vmin.f32 v12, v22;
	v17 =	vld [tilespmem:s17+$0xAA80];
	v26 =	vsub.f32 v21, v19  }
0xea: {  	_ =	sdelay $0x2  }
0xeb: {  	v21 =	vmax.f32 v11, v33;
	v18 =	vmin.f32 v8, v18  }
0xec: {  	v22 =	vsub.f32 v29, v25;
	v18 =	vsub.f32 v18, v21  }
0xed: {  	v24 =	vld [tilespmem:s19+$0xA980]  }
0xee: {  	p5 =	sne.s32 s18, $0x1;
	v33 =	vld [tilespmem:s19+$0xA900];
	v22 =	vmax.f32 v22, $0.0e+00;
	v21 =	vadd.f32 $9.999999710e-10, v26;
	v23 =	vmax.f32 v18, $0.0e+00  }
.Ltmp12:
0xef: {  	s21 =	simm.s32 $0x200;
	s22 =	simm.s32 $0x40;
	v18 =	vld [tilespmem:s19+$0xAA00];
	v23 =	vmul.f32 v23, v22;
	v22 =	vadd.f32 v17, v9;
	(pc) =	sbr.rel @!p5 .LBB2_17-.Ltmp12, $4  }
0xf0: {  	s14 =	sand.u32 $0x70, s22;
	s20 =	sand.u32 $0xFFFFFC00, s21;
	(erf) = vrcp.f32 v21  }
0xf1: {  	v32 =	vld [tilespmem:s15+$0xA800];
	v27 =	vimm.s32 $0x0;
	v36 =	vmov v19;
	s14 =	sor.u32 s14, s20  }
0xf2: {  	s23 =	sadd.s32 $0xFFFFFFFF, s18;
	v37 =	vor.u32 s22, v2;
	v25 =	vmax.f32 v13, v16;
	v16 =	vld [tilespmem:s14+$0xA880];
	v29 =	vmin.f32 v12, v24;
	v21 =	vpop (erf)  }
0xf3: {  	p4 =	por $0x1, $0x1;
	s18 =	smov.u32 s15;
	s20 =	smov.u32 s16;
	v24 =	vimm.f32 $-3.399999950e+38;
	v17 =	vld [tilespmem:s19+$0xAA80];
	v31 =	vsub.f32 v22, v23;
	v34 =	vmul.f32 v21, v20;
	v21 =	vmovc v14;
	v22 =	vmovc v15  }
.LBB2_18:
0xf4: {  	p5 =	sne.s32 s23, $0x1;
	v28 =	vmax.f32 v11, v33;
	v33 =	vld [tilespmem:s14+$0xA900];
	v18 =	vmin.f32 v8, v18;
	v25 =	vsub.f32 v29, v25;
	v30 =	vmovc v23  }
0xf5: {  	v29 =	vld [tilespmem:s14+$0xA980];
	v23 =	vsub.f32 v18, v28;
	v28 =	vadd.f32 $9.999999710e-10, v31;
	vm6 =	vgt.f32 v34, $5.000000000e-01;
	v31 =	vmovc v21;
	v21 =	vmovc v22  }
.Ltmp13:
0xf6: {  	v22 =	vmovc v10;
	v10 =	vmovc v35;
	v35 =	vmov v37;
	v18 =	vld [tilespmem:s14+$0xAA00];
	v25 =	vmax.f32 v25, $0.0e+00;
	v34 =	vsel vm6, $0xC0000000, v32;
	(pc) =	sbr.rel @p5 .LBB2_18-.Ltmp13, $4  }
0xf7: {  	s21 =	sadd.s32 $0x80, s21;
	s22 =	sadd.s32 $0x10, s22;
	v23 =	vmax.f32 v23, $0.0e+00;
	(erf) = vrcp.f32 v28;
	[tilespmem:s18+$0xA800] =	vst v34;
	vm6 =	vgt.f32 v34, v24;
	s18 =	smov.u32 s20  }
0xf8: {  	s24 =	sand.u32 $0x70, s22;
	s25 =	sand.u32 $0xFFFFFC00, s21;
	v28 =	vadd.f32 v17, v9;
	s20 =	smov.u32 s17;
	v23 =	vmul.f32 v23, v25;
	v32 =	vld [tilespmem:s18+$0xA800];
	v24 =	vsel vm6, v34, v24  }
0xf9: {  	v37 =	vor.u32 s22, v2;
	s17 =	smov.u32 s19;
	s19 =	smov.u32 s14;
	v25 =	vmax.f32 v13, v16;
	v27 =	vsel vm6, v31, v27;
	v17 =	vld [tilespmem:s14+$0xAA80];
	v34 =	vpop (erf);
	s14 =	sor.u32 s24, s25  }
0xfa: {  	s23 =	sadd.s32 $0xFFFFFFFF, s23;
	v16 =	vld [tilespmem:s14+$0xA880];
	v29 =	vmin.f32 v12, v29;
	v31 =	vsub.f32 v28, v23;
	v34 =	vmul.f32 v34, v36;
	v36 =	vmovc v30  }
0xfb: {  	v30 =	vmov v10;
	s21 =	smov.u32 s17;
	v28 =	vmov v35;
	v10 =	vmov v37;
	s17 =	smov.u32 s19  }
.LBB2_20:
0xfc: {  	v33 =	vmax.f32 @p1 v11, v33;
	v18 =	vmin.f32 @p1 v8, v18  }
0xfd: {  	v25 =	vsub.f32 @p1 v29, v25;
	vm6 =	vgt.f32 @p4 v34, $5.000000000e-01;
	v18 =	vsub.f32 @p1 v18, v33  }
0xfe: {  	v53 =	vld [tilespmem:s14+$0xA900];
	v31 =	vadd.f32 @p2 $9.999999710e-10, v31;
	v32 =	vsel @p4 vm6, $0xC0000000, v32  }
0xff: {  	v54 =	vld [tilespmem:s14+$0xA980];
	v25 =	vmax.f32 @p1 v25, $0.0e+00;
	[tilespmem:s18+$0xA800] =	vst @p4 v32;
	s18 =	smov.u32 @p3 s20;
	v18 =	vmax.f32 @p1 v18, $0.0e+00  }
0x100: {  	(erf) = vrcp.f32 @p2 v31;
	v17 =	vadd.f32 @p1 v17, v9;
	v18 =	vmul.f32 @p1 v18, v25;
	v25 =	vld @p3 [tilespmem:s18+$0xA800]  }
0x101: {  	v55 =	vld [tilespmem:s14+$0xAA00];
	v34 =	vpop @p3 (erf)  }
0x102: {  	v34 =	vmul.f32 @p3 v34, v36;
	v17 =	vsub.f32 @p1 v17, v18  }
0x103: {  	v13 =	vmax.f32 v13, v16  }
0x104: {  	v12 =	vmin.f32 v12, v54;
	v16 =	vpsel p1, v17, v26;
	v17 =	vpsel p3, v34, v0  }
0x105: {  	v56 =	vld [tilespmem:s14+$0xAA80];
	v25 =	vpsel p3, v25, v0;
	vm6 =	vgt.f32 @p3 v17, $5.000000000e-01;
	v16 =	vadd.f32 @p1 $9.999999710e-10, v16  }
0x106: {  	s19 =	smov.u32 @p2 s21;
	s18 =	smov.u32 @p3 s18;
	v57 =	vmax.f32 v11, v53;
	v8 =	vmin.f32 v8, v55;
	v17 =	vsel @p3 vm6, $0xC0000000, v25  }
0x107: {  	s15 =	smov.u32 @p2 s19;
	v12 =	vsub.f32 v12, v13;
	v8 =	vsub.f32 v8, v57;
	[tilespmem:s18+$0xA800] =	vst @p3 v17  }
0x108: {  	v11 =	vmov @p2 v23;
	(erf) = vrcp.f32 @p1 v16;
	v13 =	vld @p2 [tilespmem:s15+$0xA800]  }
0x109: {  	v11 =	vpsel p2, v11, v20;
	v12 =	vmax.f32 v12, $0.0e+00;
	v8 =	vmax.f32 v8, $0.0e+00;
	v16 =	vpop @p2 (erf)  }
0x10a: {  	v58 =	vadd.f32 v56, v9;
	v8 =	vmul.f32 v8, v12;
	v11 =	vmul.f32 @p2 v16, v11;
	_ =	sdelay $0x1  }
0x10b: {  	v9 =	vsub.f32 v58, v8;
	v11 =	vpsel p2, v11, v0  }
0x10c: {  	s16 =	smov.u32 @p1 s17;
	v12 =	vpsel p2, v13, v0;
	vm6 =	vgt.f32 @p2 v11, $5.000000000e-01  }
0x10d: {  	s16 =	smov.u32 @p1 s16;
	s15 =	smov.u32 @p2 s15;
	v9 =	vadd.f32 $9.999999710e-10, v9;
	v12 =	vsel @p2 vm6, $0xC0000000, v12  }
0x10e: {  	[tilespmem:s15+$0xA800] =	vst @p2 v12;
	s15 =	smov.u32 @p1 s16  }
0x10f: {  	v59 =	vpsel p1, v18, v19;
	(erf) = vrcp.f32 v9;
	v9 =	vld @p1 [tilespmem:s15+$0xA800]  }
0x110: {  	v11 =	vpsel p1, v59, v0;
	vm6 =	vgt.f32 @p4 v32, v24;
	v13 =	vpop @p1 (erf)  }
0x111: {  	v18 =	vmovc @p3 v22;
	v16 =	vmov @p4 v21;
	v19 =	vsel @p4 vm6, v32, v24;
	v11 =	vmul.f32 @p1 v13, v11  }
0x112: {  	v18 =	vpsel p3, v18, v0;
	v16 =	vsel @p4 vm6, v16, v27;
	v13 =	vmov @p2 v30  }
0x113: {  	v13 =	vpsel p2, v13, v14;
	v14 =	vpsel p4, v19, v7;
	v11 =	vpsel p1, v11, v0  }
0x114: {  	v19 =	vmovc @p1 v28;
	vm6 =	vgt.f32 @p3 v17, v14;
	vm7 =	vgt.f32 @p1 v11, $5.000000000e-01;
	v9 =	vpsel p1, v9, v0  }
0x115: {  	s15 =	smov.u32 @p1 s15;
	v60 =	vpsel p1, v19, v15;
	v14 =	vsel @p3 vm6, v17, v14;
	v9 =	vsel @p1 vm7, $0xC0000000, v9  }
0x116: {  	v15 =	vpsel p4, v16, v6;
	v16 =	vmov @p3 v18;
	v14 =	vpsel p3, v14, v7;
	[tilespmem:s15+$0xA800] =	vst @p1 v9  }
0x117: {  	v15 =	vsel @p3 vm6, v16, v15;
	vm6 =	vgt.f32 @p2 v12, v14;
	v61 =	vld [tilespmem:s14+$0xA800]  }
0x118: {  	v13 =	vpsel p2, v13, v0;
	v11 =	vpsel p1, v60, v0;
	v62 =	vpop (erf);
	v12 =	vsel @p2 vm6, v12, v14  }
0x119: {  	v15 =	vpsel p3, v15, v6;
	v8 =	vmul.f32 v62, v8;
	v12 =	vpsel p2, v12, v7  }
0x11a: {  	v11 =	vpsel p1, v11, v0;
	v13 =	vsel @p2 vm6, v13, v15;
	vm6 =	vgt.f32 @p1 v9, v12  }
.Ltmp14:
0x11b: {  	vm7 =	vgt.f32 v8, $5.000000000e-01;
	v13 =	vpsel p2, v13, v6;
	v9 =	vsel @p1 vm6, v9, v12;
	(pc) =	sbr.rel .LBB2_21-.Ltmp14, $4  }
0x11c: {  	v8 =	vsel @p1 vm6, v11, v13;
	v7 =	vpsel p1, v9, v7;
	v63 =	vsel vm7, $0xC0000000, v61  }
0x11d: {  	v6 =	vpsel p1, v8, v6;
	vm6 =	vgt.f32 v63, v7  }
0x11e: {  	v6 =	vsel vm6, v10, v6  }
0x11f: {  	[tilespmem:s14+$0xA800] =	vst v63;
	v7 =	vsel vm6, v63, v7;
	v6 =	vxor.u32 $0x80000000, v6  }
.LBB2_9:
.Ltmp15:
0x120: {  	(pc) =	sbr.rel .LBB2_20-.Ltmp15, $2  }
0x121: {  	_ =	sdelay $0x2  }
0x122: {  	s14 =	smov.u32 s15;
	v10 =	vmov v14;
	v24 =	vimm.f32 $-3.399999950e+38;
	v27 =	vimm.s32 $0x0  }
.LBB2_11:
.Ltmp16:
0x123: {  	(pc) =	sbr.rel .LBB2_20-.Ltmp16, $2  }
0x124: {  	_ =	sdelay $0x2  }
0x125: {  	s14 =	smov.u32 s16;
	v28 =	vmovc v14;
	v10 =	vmov v15;
	s17 =	smov.u32 s15;
	v24 =	vimm.f32 $-3.399999950e+38;
	v27 =	vimm.s32 $0x0  }
.LBB2_13:
.Ltmp17:
0x126: {  	(pc) =	sbr.rel .LBB2_20-.Ltmp17, $2  }
0x127: {  	_ =	sdelay $0x2  }
0x128: {  	s14 =	smov.u32 s17;
	v23 =	vmovc v20;
	v30 =	vmovc v14;
	v28 =	vmov v15;
	s21 =	smov.u32 s15;
	s17 =	smov.u32 s16;
	v24 =	vimm.f32 $-3.399999950e+38;
	v27 =	vimm.s32 $0x0  }
.LBB2_15:
.Ltmp18:
0x129: {  	(pc) =	sbr.rel .LBB2_20-.Ltmp18, $3  }
0x12a: {  	_ =	sdelay $0x1  }
0x12b: {  	v28 =	vmovc v10;
	v23 =	vmov v19;
	v22 =	vmov v14;
	v30 =	vmov v15  }
0x12c: {  	s14 =	smov.u32 s19;
	v10 =	vmovc v35;
	v24 =	vimm.f32 $-3.399999950e+38;
	s20 =	smov.u32 s15;
	s21 =	smov.u32 s16;
	v27 =	vimm.s32 $0x0;
	v36 =	vmovc v20;
	v31 =	vmov v26  }
.LBB2_17:
.Ltmp19:
0x12d: {  	(pc) =	sbr.rel .LBB2_20-.Ltmp19, $3  }
0x12e: {  	_ =	sdelay $0x1  }
0x12f: {  	v30 =	vmov v10;
	s21 =	smov.u32 s17;
	v21 =	vmov v14;
	v22 =	vmov v15  }
0x130: {  	v28 =	vmovc v35;
	v10 =	vmovc v37;
	s18 =	smov.u32 s15;
	v24 =	vimm.f32 $-3.399999950e+38;
	s20 =	smov.u32 s16;
	v27 =	vimm.s32 $0x0;
	s17 =	smov.u32 s19;
	v36 =	vmov v19  }
.LBB2_24:
0x131: {  	_ =	sfence.sel $0x180000  }
0x132: {  	[bflag:$0x0] =	sbarrier.arrive $0xFFFF  }
0x133: {  	p0 =	sne.s32 s1, $0x0;
	_ =	strace $0x90000047  }
0x134: {  	s0 =	sadd.s32 @!p0 $0x100000, s0;
	[bflag:$0x2] =	sbarrier.arrive $0xFFFF  }
0x135: {  	[sflag:s0] =	ssyncadd.tile.s32 @!p0 $0x1;
	_ =	shalt  }
.Lfunc_end2:
_tile_overlayer_lowered:
.L_overlay_start_2:
0x136: {  	(tag) =	ssettag $0x2  }
0x137: {  	s0 =	rddreg [dreg:$0x0];
	s2 =	stileid.u32  }
0x138: {  	s1 =	rddreg [dreg:$0x1];
	p0 =	sne.s32 s2, $0x0  }
0x139: {  	s3 =	rddreg [dreg:$0x2];
	[bflag:$0x3] =	sbarrier.arrive $0xFFFF;
	s2 =	simm.s32 @!p0 $0x1C01  }
0x13a: {  	[timem:s3], [sflag:s2] =	dma.local @!p0 [hbm:s0], s1  }
0x13b: {  	s0 =	simm.s32 @!p0 $0x1  }
0x13c: {  	_ =	swait.ge @!p0 [sflag:s0], s1  }
0x13d: {  	s1 =	ssub.s32 @!p0 $0x0, s1;
	[sflag:s0] =	ssyncset.done @!p0 $0x0  }
0x13e: {  	[sflag:s0] =	ssyncadd.s32 @!p0 s1  }
0x13f: {  	[bflag:$0x3] =	sbarrier.arrive $0xFFFF  }
0x140: {  	_ =	shalt  }

</sc_bundles>
